<compile_context>
chip_gen: v7x
topology: tpu7x:2x2x1
jax: 0.10.2.dev20260603
libtpu: 0.0.44.dev20260713+nightly
codegen_flags: <defaults>
</compile_context>

<pallas_src>
import jax
import jax.numpy as jnp
from jax import lax
from jax.experimental import pallas as pl
from jax.experimental.pallas import tpu as pltpu
from jax.experimental.pallas import tpu_sc as plsc

_BATCH = 16384
_D = 32
_NC = 2
_NS = 16
_NW = _NC * _NS
_PER_W = _BATCH // _NW
_RING = 14


def _take16(x, idx):
    return lax.gather(
        x, idx[:, None],
        lax.GatherDimensionNumbers(
            offset_dims=(), collapsed_slice_dims=(0,), start_index_map=(0,)),
        (1,), mode=lax.GatherScatterMode.PROMISE_IN_BOUNDS)


def _lfm_body(users_hbm, items_hbm, ut_hbm, it_hbm, out_hbm,
              su, si, blk_u, blk_i, out_v, sems):
    wid = lax.axis_index("s") * _NC + lax.axis_index("c")
    base = wid * _PER_W

    pltpu.sync_copy(users_hbm.at[pl.ds(base, _PER_W)], su.at[pl.ds(0, _PER_W)])
    pltpu.sync_copy(items_hbm.at[pl.ds(base, _PER_W)], si.at[pl.ds(0, _PER_W)])

    lane = lax.broadcasted_iota(jnp.int32, (16,), 0)
    perms = [lane ^ m for m in (8, 4, 2, 1)]

    def fire(k, slot):
        u = su[pl.ds(k, 16)][0]
        it = si[pl.ds(k, 16)][0]
        cu = (u >> 7) * 128
        ci = (it >> 7) * 128
        pltpu.async_copy(ut_hbm.at[:, pl.ds(cu, 128)], blk_u.at[slot], sems.at[slot])
        pltpu.async_copy(it_hbm.at[:, pl.ds(ci, 128)], blk_i.at[slot], sems.at[slot])

    def drain(slot):
        pltpu.make_async_copy(
            ut_hbm.at[:, pl.ds(0, 128)], blk_u.at[slot], sems.at[slot]).wait()
        pltpu.make_async_copy(
            it_hbm.at[:, pl.ds(0, 128)], blk_i.at[slot], sems.at[slot]).wait()

    def compute(k, slot, acc):
        wu = jnp.full((16,), su[pl.ds(k, 16)][0] & 127, jnp.int32)
        wi = jnp.full((16,), si[pl.ds(k, 16)][0] & 127, jnp.int32)
        slotv = jnp.full((16,), slot, jnp.int32)
        u0 = plsc.load_gather(blk_u, [slotv, lane, wu])
        u1 = plsc.load_gather(blk_u, [slotv, lane + 16, wu])
        v0 = plsc.load_gather(blk_i, [slotv, lane, wi])
        v1 = plsc.load_gather(blk_i, [slotv, lane + 16, wi])
        s = u0 * v0 + u1 * v1
        for p in perms:
            s = s + _take16(s, p)
        acc = jnp.where(lane == (k & 15), s, acc)

        @pl.when((k & 15) == 15)
        def _():
            out_v[pl.ds(k & ~15, 16)] = acc
        return acc

    for k in range(_RING):
        fire(k, k)

    def step(k, acc):
        slot = lax.rem(k, _RING)
        drain(slot)
        acc = compute(k, slot, acc)
        fire(k + _RING, slot)
        return acc
    acc = lax.fori_loop(0, _PER_W - _RING, step, jnp.zeros((16,), jnp.float32))

    def tail(k, acc):
        slot = lax.rem(k, _RING)
        drain(slot)
        return compute(k, slot, acc)
    lax.fori_loop(_PER_W - _RING, _PER_W, tail, acc)

    pltpu.sync_copy(out_v, out_hbm.at[pl.ds(base, _PER_W)])


def kernel(users, items, user_table, item_table):
    users32 = users.astype(jnp.int32)
    items32 = items.astype(jnp.int32)
    ut_t = user_table.T
    it_t = item_table.T
    mesh = plsc.VectorSubcoreMesh(core_axis_name="c", subcore_axis_name="s")
    run = pl.kernel(
        _lfm_body,
        mesh=mesh,
        compiler_params=pltpu.CompilerParams(
            use_tc_tiling_on_sc=True, needs_layout_passes=False),
        out_type=jax.ShapeDtypeStruct((_BATCH,), jnp.float32),
        scratch_types=[
            pltpu.VMEM((_PER_W + 16,), jnp.int32),
            pltpu.VMEM((_PER_W + 16,), jnp.int32),
            pltpu.VMEM((_RING, _D, 128), jnp.float32),
            pltpu.VMEM((_RING, _D, 128), jnp.float32),
            pltpu.VMEM((_PER_W,), jnp.float32),
            pltpu.SemaphoreType.DMA((_RING,)),
        ],
    )
    return run(users32, items32, ut_t, it_t)

# --- scband reference (transcript-rebuilt; emitter-appended) ---
"""Pipeline reference for scband-lfm-9758165696984 (READ-ONLY COPY).

The authoritative reference and input builder live on the scoring server;
editing this copy changes nothing except your own understanding.
"""

import jax, jax.numpy as jnp
import numpy as np

N_USERS = 1000000
N_ITEMS = 1000000
N_FACTORS = 32
BATCH = 16384


def setup_inputs(seed: int = 0) -> dict:
    key = jax.random.key(seed)
    k1, k2, k3, k4 = jax.random.split(key, 4)
    users = jax.random.randint(k1, (BATCH,), 0, N_USERS, dtype=jnp.int64) if jax.config.jax_enable_x64 else jax.random.randint(k1, (BATCH,), 0, N_USERS, dtype=jnp.int32)
    items = jax.random.randint(k2, (BATCH,), 0, N_ITEMS, dtype=jnp.int64) if jax.config.jax_enable_x64 else jax.random.randint(k2, (BATCH,), 0, N_ITEMS, dtype=jnp.int32)
    user_table = jax.random.normal(k3, (N_USERS, N_FACTORS), dtype=jnp.float32) * 0.01
    item_table = jax.random.normal(k4, (N_ITEMS, N_FACTORS), dtype=jnp.float32) * 0.01
    return {"users": users, "items": items, "user_table": user_table, "item_table": item_table}


def reference(users, items, user_table, item_table):
    # Faithful translation of LFM.forward: embedding gathers + elementwise
    # product + reduce over factor dim, keepdim then squeeze.
    ues = jnp.take(user_table, users, axis=0)
    uis = jnp.take(item_table, items, axis=0)
    preds = (ues * uis).sum(axis=1, keepdims=True)
    return preds.squeeze(1)

if __name__ == "__main__":
    import jax
    _d = setup_inputs()
    print(jax.jit(kernel)(*tuple(_d.values())))

</pallas_src>

<mosaic_0001>
#map = affine_map<(d0, d1) -> (0)>
#map1 = affine_map<(d0, d1) -> (0, 0)>
module attributes {stable_mosaic.version = 14 : i64} {
  func.func @_lfm_body(%arg0: i32, %arg1: i32, %arg2: memref<16384xi32, #tpu.memory_space<hbm>>, %arg3: memref<16384xi32, #tpu.memory_space<hbm>>, %arg4: memref<32x1000000xf32, #tpu.memory_space<hbm>>, %arg5: memref<32x1000000xf32, #tpu.memory_space<hbm>>, %arg6: memref<16384xf32, #tpu.memory_space<hbm>>, %arg7: memref<528xi32, #tpu.memory_space<vmem>>, %arg8: memref<528xi32, #tpu.memory_space<vmem>>, %arg9: memref<14x32x128xf32, #tpu.memory_space<vmem>>, %arg10: memref<14x32x128xf32, #tpu.memory_space<vmem>>, %arg11: memref<512xf32, #tpu.memory_space<vmem>>, %arg12: memref<14x!tpu.dma_semaphore, #tpu.memory_space<semaphore_mem>>) attributes {dimension_semantics = [#tpu.dimension_semantics<core_parallel>, #tpu.dimension_semantics<subcore_parallel>], iteration_bounds = array<i64: 2, 16>, scalar_prefetch = 0 : i64, scratch_operands = 6 : i64, tpu.core_type = #tpu.core_type<sc_vector_subcore>, window_params = [{transform_indices = #map}, {transform_indices = #map}, {transform_indices = #map1}, {transform_indices = #map1}, {transform_indices = #map}]} {
    %mul3A = arith.constant 2 : i32
    %mul3A_0 = arith.muli %arg1, %mul3A : i32
    %add3A = arith.addi %mul3A_0, %arg0 : i32
    %mul3A_1 = arith.constant 512 : i32
    %mul3A_2 = arith.muli %add3A, %mul3A_1 : i32
    "tpu.region"() ({
      %run_scoped3A = tpu.sem_alloc : memref<!tpu.dma_semaphore, #tpu.memory_space<semaphore_mem>>
      %dma_start3A_693 = arith.constant 0 : i32
      %dma_start3A_694 = tpu.memref_slice %arg7[%dma_start3A_693] : memref<528xi32, #tpu.memory_space<vmem>> -> memref<512xi32, #tpu.memory_space<vmem>>
      %dma_start3A_695 = tpu.memref_slice %arg2[%mul3A_2] : memref<16384xi32, #tpu.memory_space<hbm>> -> memref<512xi32, #tpu.memory_space<hbm>>
      %dma_start3A_696 = arith.constant 0 : i32
      %dma_start3A_697 = tpu.memref_slice %arg7[%dma_start3A_696] : memref<528xi32, #tpu.memory_space<vmem>> -> memref<512xi32, #tpu.memory_space<vmem>>
      %dma_start3A_698 = tpu.memref_slice %arg2[%mul3A_2] : memref<16384xi32, #tpu.memory_space<hbm>> -> memref<512xi32, #tpu.memory_space<hbm>>
      tpu.enqueue_dma source(%dma_start3A_698 : memref<512xi32, #tpu.memory_space<hbm>>) target(%dma_start3A_697 : memref<512xi32, #tpu.memory_space<vmem>>) target_semaphore(%run_scoped3A : memref<!tpu.dma_semaphore, #tpu.memory_space<semaphore_mem>>)
      %dma_wait3A = arith.constant 0 : i32
      %dma_wait3A_699 = tpu.memref_slice %arg7[%dma_wait3A] : memref<528xi32, #tpu.memory_space<vmem>> -> memref<512xi32, #tpu.memory_space<vmem>>
      %dma_wait3A_700 = tpu.memref_slice %arg2[%mul3A_2] : memref<16384xi32, #tpu.memory_space<hbm>> -> memref<512xi32, #tpu.memory_space<hbm>>
      %dma_wait3A_701 = arith.constant 0 : i32
      %dma_wait3A_702 = tpu.memref_slice %arg7[%dma_wait3A_701] : memref<528xi32, #tpu.memory_space<vmem>> -> memref<512xi32, #tpu.memory_space<vmem>>
      %dma_wait3A_703 = tpu.memref_slice %arg2[%mul3A_2] : memref<16384xi32, #tpu.memory_space<hbm>> -> memref<512xi32, #tpu.memory_space<hbm>>
      tpu.wait_dma2 semaphore(%run_scoped3A : memref<!tpu.dma_semaphore, #tpu.memory_space<semaphore_mem>>) src(%dma_wait3A_703 : memref<512xi32, #tpu.memory_space<hbm>>) dst(%dma_wait3A_702 : memref<512xi32, #tpu.memory_space<vmem>>)
      tpu.yield
    }) : () -> ()
    "tpu.region"() ({
      %run_scoped3A = tpu.sem_alloc : memref<!tpu.dma_semaphore, #tpu.memory_space<semaphore_mem>>
      %dma_start3A_693 = arith.constant 0 : i32
      %dma_start3A_694 = tpu.memref_slice %arg8[%dma_start3A_693] : memref<528xi32, #tpu.memory_space<vmem>> -> memref<512xi32, #tpu.memory_space<vmem>>
      %dma_start3A_695 = tpu.memref_slice %arg3[%mul3A_2] : memref<16384xi32, #tpu.memory_space<hbm>> -> memref<512xi32, #tpu.memory_space<hbm>>
      %dma_start3A_696 = arith.constant 0 : i32
      %dma_start3A_697 = tpu.memref_slice %arg8[%dma_start3A_696] : memref<528xi32, #tpu.memory_space<vmem>> -> memref<512xi32, #tpu.memory_space<vmem>>
      %dma_start3A_698 = tpu.memref_slice %arg3[%mul3A_2] : memref<16384xi32, #tpu.memory_space<hbm>> -> memref<512xi32, #tpu.memory_space<hbm>>
      tpu.enqueue_dma source(%dma_start3A_698 : memref<512xi32, #tpu.memory_space<hbm>>) target(%dma_start3A_697 : memref<512xi32, #tpu.memory_space<vmem>>) target_semaphore(%run_scoped3A : memref<!tpu.dma_semaphore, #tpu.memory_space<semaphore_mem>>)
      %dma_wait3A = arith.constant 0 : i32
      %dma_wait3A_699 = tpu.memref_slice %arg8[%dma_wait3A] : memref<528xi32, #tpu.memory_space<vmem>> -> memref<512xi32, #tpu.memory_space<vmem>>
      %dma_wait3A_700 = tpu.memref_slice %arg3[%mul3A_2] : memref<16384xi32, #tpu.memory_space<hbm>> -> memref<512xi32, #tpu.memory_space<hbm>>
      %dma_wait3A_701 = arith.constant 0 : i32
      %dma_wait3A_702 = tpu.memref_slice %arg8[%dma_wait3A_701] : memref<528xi32, #tpu.memory_space<vmem>> -> memref<512xi32, #tpu.memory_space<vmem>>
      %dma_wait3A_703 = tpu.memref_slice %arg3[%mul3A_2] : memref<16384xi32, #tpu.memory_space<hbm>> -> memref<512xi32, #tpu.memory_space<hbm>>
      tpu.wait_dma2 semaphore(%run_scoped3A : memref<!tpu.dma_semaphore, #tpu.memory_space<semaphore_mem>>) src(%dma_wait3A_703 : memref<512xi32, #tpu.memory_space<hbm>>) dst(%dma_wait3A_702 : memref<512xi32, #tpu.memory_space<vmem>>)
      tpu.yield
    }) : () -> ()
    %iota3A = tpu.iota {dimensions = array<i32: 0>} : vector<16xi32>
    %xor3A = arith.constant 8 : i32
    %xor3A_3 = vector.broadcast %xor3A : i32 to vector<16xi32>
    %xor3A_4 = arith.xori %iota3A, %xor3A_3 : vector<16xi32>
    %xor3A_5 = arith.constant 4 : i32
    %xor3A_6 = vector.broadcast %xor3A_5 : i32 to vector<16xi32>
    %xor3A_7 = arith.xori %iota3A, %xor3A_6 : vector<16xi32>
    %xor3A_8 = arith.constant 2 : i32
    %xor3A_9 = vector.broadcast %xor3A_8 : i32 to vector<16xi32>
    %xor3A_10 = arith.xori %iota3A, %xor3A_9 : vector<16xi32>
    %xor3A_11 = arith.constant 1 : i32
    %xor3A_12 = vector.broadcast %xor3A_11 : i32 to vector<16xi32>
    %xor3A_13 = arith.xori %iota3A, %xor3A_12 : vector<16xi32>
    %get3A = arith.constant 0 : index
    %get3A_14 = tpu.vector_load %arg7[%get3A] {strides = array<i32>} : memref<528xi32, #tpu.memory_space<vmem>>, vector<16xi32>,
    %slice3A = vector.extract_strided_slice %get3A_14 {offsets = [0], sizes = [1], strides = [1]} : vector<16xi32> to vector<1xi32>
    %squeeze3A = vector.extract %slice3A[0] : i32 from vector<1xi32>
    %get3A_15 = arith.constant 0 : index
    %get3A_16 = tpu.vector_load %arg8[%get3A_15] {strides = array<i32>} : memref<528xi32, #tpu.memory_space<vmem>>, vector<16xi32>,
    %slice3A_17 = vector.extract_strided_slice %get3A_16 {offsets = [0], sizes = [1], strides = [1]} : vector<16xi32> to vector<1xi32>
    %squeeze3A_18 = vector.extract %slice3A_17[0] : i32 from vector<1xi32>
    %shift_right_arithmetic3A = arith.constant 7 : i32
    %shift_right_arithmetic3A_19 = arith.shrsi %squeeze3A, %shift_right_arithmetic3A : i32
    %mul3A_20 = arith.constant 128 : i32
    %mul3A_21 = arith.muli %shift_right_arithmetic3A_19, %mul3A_20 : i32
    %shift_right_arithmetic3A_22 = arith.constant 7 : i32
    %shift_right_arithmetic3A_23 = arith.shrsi %squeeze3A_18, %shift_right_arithmetic3A_22 : i32
    %mul3A_24 = arith.constant 128 : i32
    %mul3A_25 = arith.muli %shift_right_arithmetic3A_23, %mul3A_24 : i32
    %dma_start3A = arith.constant 0 : i32
    %dma_start3A_26 = arith.constant 0 : i32
    %dma_start3A_27 = arith.constant 0 : i32
    %dma_start3A_28 = arith.constant 0 : i32
    %dma_start3A_29 = tpu.memref_slice %arg9[%dma_start3A, %dma_start3A_27, %dma_start3A_28] : memref<14x32x128xf32, #tpu.memory_space<vmem>> -> memref<1x32x128xf32, #tpu.memory_space<vmem>>
    %dma_start3A_30 = tpu.memref_squeeze %dma_start3A_29 : memref<1x32x128xf32, #tpu.memory_space<vmem>> -> memref<32x128xf32, #tpu.memory_space<vmem>>
    %dma_start3A_31 = arith.constant 0 : i32
    %dma_start3A_32 = tpu.memref_slice %arg4[%dma_start3A_31, %mul3A_21] : memref<32x1000000xf32, #tpu.memory_space<hbm>> -> memref<32x128xf32, #tpu.memory_space<hbm>>
    %dma_start3A_33 = tpu.memref_slice %arg12[%dma_start3A_26] : memref<14x!tpu.dma_semaphore, #tpu.memory_space<semaphore_mem>> -> memref<1x!tpu.dma_semaphore, #tpu.memory_space<semaphore_mem>>
    %dma_start3A_34 = tpu.memref_squeeze %dma_start3A_33 : memref<1x!tpu.dma_semaphore, #tpu.memory_space<semaphore_mem>> -> memref<!tpu.dma_semaphore, #tpu.memory_space<semaphore_mem>>
    %dma_start3A_35 = arith.constant 0 : i32
    %dma_start3A_36 = arith.constant 0 : i32
    %dma_start3A_37 = tpu.memref_slice %arg9[%dma_start3A, %dma_start3A_35, %dma_start3A_36] : memref<14x32x128xf32, #tpu.memory_space<vmem>> -> memref<1x32x128xf32, #tpu.memory_space<vmem>>
    %dma_start3A_38 = tpu.memref_squeeze %dma_start3A_37 : memref<1x32x128xf32, #tpu.memory_space<vmem>> -> memref<32x128xf32, #tpu.memory_space<vmem>>
    %dma_start3A_39 = arith.constant 0 : i32
    %dma_start3A_40 = tpu.memref_slice %arg4[%dma_start3A_39, %mul3A_21] : memref<32x1000000xf32, #tpu.memory_space<hbm>> -> memref<32x128xf32, #tpu.memory_space<hbm>>
    tpu.enqueue_dma source(%dma_start3A_40 : memref<32x128xf32, #tpu.memory_space<hbm>>) target(%dma_start3A_38 : memref<32x128xf32, #tpu.memory_space<vmem>>) target_semaphore(%dma_start3A_34 : memref<!tpu.dma_semaphore, #tpu.memory_space<semaphore_mem>>)
    %dma_start3A_41 = arith.constant 0 : i32
    %dma_start3A_42 = arith.constant 0 : i32
    %dma_start3A_43 = arith.constant 0 : i32
    %dma_start3A_44 = arith.constant 0 : i32
    %dma_start3A_45 = tpu.memref_slice %arg10[%dma_start3A_41, %dma_start3A_43, %dma_start3A_44] : memref<14x32x128xf32, #tpu.memory_space<vmem>> -> memref<1x32x128xf32, #tpu.memory_space<vmem>>
    %dma_start3A_46 = tpu.memref_squeeze %dma_start3A_45 : memref<1x32x128xf32, #tpu.memory_space<vmem>> -> memref<32x128xf32, #tpu.memory_space<vmem>>
    %dma_start3A_47 = arith.constant 0 : i32
    %dma_start3A_48 = tpu.memref_slice %arg5[%dma_start3A_47, %mul3A_25] : memref<32x1000000xf32, #tpu.memory_space<hbm>> -> memref<32x128xf32, #tpu.memory_space<hbm>>
    %dma_start3A_49 = tpu.memref_slice %arg12[%dma_start3A_42] : memref<14x!tpu.dma_semaphore, #tpu.memory_space<semaphore_mem>> -> memref<1x!tpu.dma_semaphore, #tpu.memory_space<semaphore_mem>>
    %dma_start3A_50 = tpu.memref_squeeze %dma_start3A_49 : memref<1x!tpu.dma_semaphore, #tpu.memory_space<semaphore_mem>> -> memref<!tpu.dma_semaphore, #tpu.memory_space<semaphore_mem>>
    %dma_start3A_51 = arith.constant 0 : i32
    %dma_start3A_52 = arith.constant 0 : i32
    %dma_start3A_53 = tpu.memref_slice %arg10[%dma_start3A_41, %dma_start3A_51, %dma_start3A_52] : memref<14x32x128xf32, #tpu.memory_space<vmem>> -> memref<1x32x128xf32, #tpu.memory_space<vmem>>
    %dma_start3A_54 = tpu.memref_squeeze %dma_start3A_53 : memref<1x32x128xf32, #tpu.memory_space<vmem>> -> memref<32x128xf32, #tpu.memory_space<vmem>>
    %dma_start3A_55 = arith.constant 0 : i32
    %dma_start3A_56 = tpu.memref_slice %arg5[%dma_start3A_55, %mul3A_25] : memref<32x1000000xf32, #tpu.memory_space<hbm>> -> memref<32x128xf32, #tpu.memory_space<hbm>>
    tpu.enqueue_dma source(%dma_start3A_56 : memref<32x128xf32, #tpu.memory_space<hbm>>) target(%dma_start3A_54 : memref<32x128xf32, #tpu.memory_space<vmem>>) target_semaphore(%dma_start3A_50 : memref<!tpu.dma_semaphore, #tpu.memory_space<semaphore_mem>>)
    %get3A_57 = arith.constant 1 : index
    %get3A_58 = tpu.vector_load %arg7[%get3A_57] {strides = array<i32>} : memref<528xi32, #tpu.memory_space<vmem>>, vector<16xi32>,
    %slice3A_59 = vector.extract_strided_slice %get3A_58 {offsets = [0], sizes = [1], strides = [1]} : vector<16xi32> to vector<1xi32>
    %squeeze3A_60 = vector.extract %slice3A_59[0] : i32 from vector<1xi32>
    %get3A_61 = arith.constant 1 : index
    %get3A_62 = tpu.vector_load %arg8[%get3A_61] {strides = array<i32>} : memref<528xi32, #tpu.memory_space<vmem>>, vector<16xi32>,
    %slice3A_63 = vector.extract_strided_slice %get3A_62 {offsets = [0], sizes = [1], strides = [1]} : vector<16xi32> to vector<1xi32>
    %squeeze3A_64 = vector.extract %slice3A_63[0] : i32 from vector<1xi32>
    %shift_right_arithmetic3A_65 = arith.constant 7 : i32
    %shift_right_arithmetic3A_66 = arith.shrsi %squeeze3A_60, %shift_right_arithmetic3A_65 : i32
    %mul3A_67 = arith.constant 128 : i32
    %mul3A_68 = arith.muli %shift_right_arithmetic3A_66, %mul3A_67 : i32
    %shift_right_arithmetic3A_69 = arith.constant 7 : i32
    %shift_right_arithmetic3A_70 = arith.shrsi %squeeze3A_64, %shift_right_arithmetic3A_69 : i32
    %mul3A_71 = arith.constant 128 : i32
    %mul3A_72 = arith.muli %shift_right_arithmetic3A_70, %mul3A_71 : i32
    %dma_start3A_73 = arith.constant 1 : i32
    %dma_start3A_74 = arith.constant 1 : i32
    %dma_start3A_75 = arith.constant 0 : i32
    %dma_start3A_76 = arith.constant 0 : i32
    %dma_start3A_77 = tpu.memref_slice %arg9[%dma_start3A_73, %dma_start3A_75, %dma_start3A_76] : memref<14x32x128xf32, #tpu.memory_space<vmem>> -> memref<1x32x128xf32, #tpu.memory_space<vmem>>
    %dma_start3A_78 = tpu.memref_squeeze %dma_start3A_77 : memref<1x32x128xf32, #tpu.memory_space<vmem>> -> memref<32x128xf32, #tpu.memory_space<vmem>>
    %dma_start3A_79 = arith.constant 0 : i32
    %dma_start3A_80 = tpu.memref_slice %arg4[%dma_start3A_79, %mul3A_68] : memref<32x1000000xf32, #tpu.memory_space<hbm>> -> memref<32x128xf32, #tpu.memory_space<hbm>>
    %dma_start3A_81 = tpu.memref_slice %arg12[%dma_start3A_74] : memref<14x!tpu.dma_semaphore, #tpu.memory_space<semaphore_mem>> -> memref<1x!tpu.dma_semaphore, #tpu.memory_space<semaphore_mem>>
    %dma_start3A_82 = tpu.memref_squeeze %dma_start3A_81 : memref<1x!tpu.dma_semaphore, #tpu.memory_space<semaphore_mem>> -> memref<!tpu.dma_semaphore, #tpu.memory_space<semaphore_mem>>
    %dma_start3A_83 = arith.constant 0 : i32
    %dma_start3A_84 = arith.constant 0 : i32
    %dma_start3A_85 = tpu.memref_slice %arg9[%dma_start3A_73, %dma_start3A_83, %dma_start3A_84] : memref<14x32x128xf32, #tpu.memory_space<vmem>> -> memref<1x32x128xf32, #tpu.memory_space<vmem>>
    %dma_start3A_86 = tpu.memref_squeeze %dma_start3A_85 : memref<1x32x128xf32, #tpu.memory_space<vmem>> -> memref<32x128xf32, #tpu.memory_space<vmem>>
    %dma_start3A_87 = arith.constant 0 : i32
    %dma_start3A_88 = tpu.memref_slice %arg4[%dma_start3A_87, %mul3A_68] : memref<32x1000000xf32, #tpu.memory_space<hbm>> -> memref<32x128xf32, #tpu.memory_space<hbm>>
    tpu.enqueue_dma source(%dma_start3A_88 : memref<32x128xf32, #tpu.memory_space<hbm>>) target(%dma_start3A_86 : memref<32x128xf32, #tpu.memory_space<vmem>>) target_semaphore(%dma_start3A_82 : memref<!tpu.dma_semaphore, #tpu.memory_space<semaphore_mem>>)
    %dma_start3A_89 = arith.constant 1 : i32
    %dma_start3A_90 = arith.constant 1 : i32
    %dma_start3A_91 = arith.constant 0 : i32
    %dma_start3A_92 = arith.constant 0 : i32
    %dma_start3A_93 = tpu.memref_slice %arg10[%dma_start3A_89, %dma_start3A_91, %dma_start3A_92] : memref<14x32x128xf32, #tpu.memory_space<vmem>> -> memref<1x32x128xf32, #tpu.memory_space<vmem>>
    %dma_start3A_94 = tpu.memref_squeeze %dma_start3A_93 : memref<1x32x128xf32, #tpu.memory_space<vmem>> -> memref<32x128xf32, #tpu.memory_space<vmem>>
    %dma_start3A_95 = arith.constant 0 : i32
    %dma_start3A_96 = tpu.memref_slice %arg5[%dma_start3A_95, %mul3A_72] : memref<32x1000000xf32, #tpu.memory_space<hbm>> -> memref<32x128xf32, #tpu.memory_space<hbm>>
    %dma_start3A_97 = tpu.memref_slice %arg12[%dma_start3A_90] : memref<14x!tpu.dma_semaphore, #tpu.memory_space<semaphore_mem>> -> memref<1x!tpu.dma_semaphore, #tpu.memory_space<semaphore_mem>>
    %dma_start3A_98 = tpu.memref_squeeze %dma_start3A_97 : memref<1x!tpu.dma_semaphore, #tpu.memory_space<semaphore_mem>> -> memref<!tpu.dma_semaphore, #tpu.memory_space<semaphore_mem>>
    %dma_start3A_99 = arith.constant 0 : i32
    %dma_start3A_100 = arith.constant 0 : i32
    %dma_start3A_101 = tpu.memref_slice %arg10[%dma_start3A_89, %dma_start3A_99, %dma_start3A_100] : memref<14x32x128xf32, #tpu.memory_space<vmem>> -> memref<1x32x128xf32, #tpu.memory_space<vmem>>
    %dma_start3A_102 = tpu.memref_squeeze %dma_start3A_101 : memref<1x32x128xf32, #tpu.memory_space<vmem>> -> memref<32x128xf32, #tpu.memory_space<vmem>>
    %dma_start3A_103 = arith.constant 0 : i32
    %dma_start3A_104 = tpu.memref_slice %arg5[%dma_start3A_103, %mul3A_72] : memref<32x1000000xf32, #tpu.memory_space<hbm>> -> memref<32x128xf32, #tpu.memory_space<hbm>>
    tpu.enqueue_dma source(%dma_start3A_104 : memref<32x128xf32, #tpu.memory_space<hbm>>) target(%dma_start3A_102 : memref<32x128xf32, #tpu.memory_space<vmem>>) target_semaphore(%dma_start3A_98 : memref<!tpu.dma_semaphore, #tpu.memory_space<semaphore_mem>>)
    %get3A_105 = arith.constant 2 : index
    %get3A_106 = tpu.vector_load %arg7[%get3A_105] {strides = array<i32>} : memref<528xi32, #tpu.memory_space<vmem>>, vector<16xi32>,
    %slice3A_107 = vector.extract_strided_slice %get3A_106 {offsets = [0], sizes = [1], strides = [1]} : vector<16xi32> to vector<1xi32>
    %squeeze3A_108 = vector.extract %slice3A_107[0] : i32 from vector<1xi32>
    %get3A_109 = arith.constant 2 : index
    %get3A_110 = tpu.vector_load %arg8[%get3A_109] {strides = array<i32>} : memref<528xi32, #tpu.memory_space<vmem>>, vector<16xi32>,
    %slice3A_111 = vector.extract_strided_slice %get3A_110 {offsets = [0], sizes = [1], strides = [1]} : vector<16xi32> to vector<1xi32>
    %squeeze3A_112 = vector.extract %slice3A_111[0] : i32 from vector<1xi32>
    %shift_right_arithmetic3A_113 = arith.constant 7 : i32
    %shift_right_arithmetic3A_114 = arith.shrsi %squeeze3A_108, %shift_right_arithmetic3A_113 : i32
    %mul3A_115 = arith.constant 128 : i32
    %mul3A_116 = arith.muli %shift_right_arithmetic3A_114, %mul3A_115 : i32
    %shift_right_arithmetic3A_117 = arith.constant 7 : i32
    %shift_right_arithmetic3A_118 = arith.shrsi %squeeze3A_112, %shift_right_arithmetic3A_117 : i32
    %mul3A_119 = arith.constant 128 : i32
    %mul3A_120 = arith.muli %shift_right_arithmetic3A_118, %mul3A_119 : i32
    %dma_start3A_121 = arith.constant 2 : i32
    %dma_start3A_122 = arith.constant 2 : i32
    %dma_start3A_123 = arith.constant 0 : i32
    %dma_start3A_124 = arith.constant 0 : i32
    %dma_start3A_125 = tpu.memref_slice %arg9[%dma_start3A_121, %dma_start3A_123, %dma_start3A_124] : memref<14x32x128xf32, #tpu.memory_space<vmem>> -> memref<1x32x128xf32, #tpu.memory_space<vmem>>
    %dma_start3A_126 = tpu.memref_squeeze %dma_start3A_125 : memref<1x32x128xf32, #tpu.memory_space<vmem>> -> memref<32x128xf32, #tpu.memory_space<vmem>>
    %dma_start3A_127 = arith.constant 0 : i32
    %dma_start3A_128 = tpu.memref_slice %arg4[%dma_start3A_127, %mul3A_116] : memref<32x1000000xf32, #tpu.memory_space<hbm>> -> memref<32x128xf32, #tpu.memory_space<hbm>>
    %dma_start3A_129 = tpu.memref_slice %arg12[%dma_start3A_122] : memref<14x!tpu.dma_semaphore, #tpu.memory_space<semaphore_mem>> -> memref<1x!tpu.dma_semaphore, #tpu.memory_space<semaphore_mem>>
    %dma_start3A_130 = tpu.memref_squeeze %dma_start3A_129 : memref<1x!tpu.dma_semaphore, #tpu.memory_space<semaphore_mem>> -> memref<!tpu.dma_semaphore, #tpu.memory_space<semaphore_mem>>
    %dma_start3A_131 = arith.constant 0 : i32
    %dma_start3A_132 = arith.constant 0 : i32
    %dma_start3A_133 = tpu.memref_slice %arg9[%dma_start3A_121, %dma_start3A_131, %dma_start3A_132] : memref<14x32x128xf32, #tpu.memory_space<vmem>> -> memref<1x32x128xf32, #tpu.memory_space<vmem>>
    %dma_start3A_134 = tpu.memref_squeeze %dma_start3A_133 : memref<1x32x128xf32, #tpu.memory_space<vmem>> -> memref<32x128xf32, #tpu.memory_space<vmem>>
    %dma_start3A_135 = arith.constant 0 : i32
    %dma_start3A_136 = tpu.memref_slice %arg4[%dma_start3A_135, %mul3A_116] : memref<32x1000000xf32, #tpu.memory_space<hbm>> -> memref<32x128xf32, #tpu.memory_space<hbm>>
    tpu.enqueue_dma source(%dma_start3A_136 : memref<32x128xf32, #tpu.memory_space<hbm>>) target(%dma_start3A_134 : memref<32x128xf32, #tpu.memory_space<vmem>>) target_semaphore(%dma_start3A_130 : memref<!tpu.dma_semaphore, #tpu.memory_space<semaphore_mem>>)
    %dma_start3A_137 = arith.constant 2 : i32
    %dma_start3A_138 = arith.constant 2 : i32
    %dma_start3A_139 = arith.constant 0 : i32
    %dma_start3A_140 = arith.constant 0 : i32
    %dma_start3A_141 = tpu.memref_slice %arg10[%dma_start3A_137, %dma_start3A_139, %dma_start3A_140] : memref<14x32x128xf32, #tpu.memory_space<vmem>> -> memref<1x32x128xf32, #tpu.memory_space<vmem>>
    %dma_start3A_142 = tpu.memref_squeeze %dma_start3A_141 : memref<1x32x128xf32, #tpu.memory_space<vmem>> -> memref<32x128xf32, #tpu.memory_space<vmem>>
    %dma_start3A_143 = arith.constant 0 : i32
    %dma_start3A_144 = tpu.memref_slice %arg5[%dma_start3A_143, %mul3A_120] : memref<32x1000000xf32, #tpu.memory_space<hbm>> -> memref<32x128xf32, #tpu.memory_space<hbm>>
    %dma_start3A_145 = tpu.memref_slice %arg12[%dma_start3A_138] : memref<14x!tpu.dma_semaphore, #tpu.memory_space<semaphore_mem>> -> memref<1x!tpu.dma_semaphore, #tpu.memory_space<semaphore_mem>>
    %dma_start3A_146 = tpu.memref_squeeze %dma_start3A_145 : memref<1x!tpu.dma_semaphore, #tpu.memory_space<semaphore_mem>> -> memref<!tpu.dma_semaphore, #tpu.memory_space<semaphore_mem>>
    %dma_start3A_147 = arith.constant 0 : i32
    %dma_start3A_148 = arith.constant 0 : i32
    %dma_start3A_149 = tpu.memref_slice %arg10[%dma_start3A_137, %dma_start3A_147, %dma_start3A_148] : memref<14x32x128xf32, #tpu.memory_space<vmem>> -> memref<1x32x128xf32, #tpu.memory_space<vmem>>
    %dma_start3A_150 = tpu.memref_squeeze %dma_start3A_149 : memref<1x32x128xf32, #tpu.memory_space<vmem>> -> memref<32x128xf32, #tpu.memory_space<vmem>>
    %dma_start3A_151 = arith.constant 0 : i32
    %dma_start3A_152 = tpu.memref_slice %arg5[%dma_start3A_151, %mul3A_120] : memref<32x1000000xf32, #tpu.memory_space<hbm>> -> memref<32x128xf32, #tpu.memory_space<hbm>>
    tpu.enqueue_dma source(%dma_start3A_152 : memref<32x128xf32, #tpu.memory_space<hbm>>) target(%dma_start3A_150 : memref<32x128xf32, #tpu.memory_space<vmem>>) target_semaphore(%dma_start3A_146 : memref<!tpu.dma_semaphore, #tpu.memory_space<semaphore_mem>>)
    %get3A_153 = arith.constant 3 : index
    %get3A_154 = tpu.vector_load %arg7[%get3A_153] {strides = array<i32>} : memref<528xi32, #tpu.memory_space<vmem>>, vector<16xi32>,
    %slice3A_155 = vector.extract_strided_slice %get3A_154 {offsets = [0], sizes = [1], strides = [1]} : vector<16xi32> to vector<1xi32>
    %squeeze3A_156 = vector.extract %slice3A_155[0] : i32 from vector<1xi32>
    %get3A_157 = arith.constant 3 : index
    %get3A_158 = tpu.vector_load %arg8[%get3A_157] {strides = array<i32>} : memref<528xi32, #tpu.memory_space<vmem>>, vector<16xi32>,
    %slice3A_159 = vector.extract_strided_slice %get3A_158 {offsets = [0], sizes = [1], strides = [1]} : vector<16xi32> to vector<1xi32>
    %squeeze3A_160 = vector.extract %slice3A_159[0] : i32 from vector<1xi32>
    %shift_right_arithmetic3A_161 = arith.constant 7 : i32
    %shift_right_arithmetic3A_162 = arith.shrsi %squeeze3A_156, %shift_right_arithmetic3A_161 : i32
    %mul3A_163 = arith.constant 128 : i32
    %mul3A_164 = arith.muli %shift_right_arithmetic3A_162, %mul3A_163 : i32
    %shift_right_arithmetic3A_165 = arith.constant 7 : i32
    %shift_right_arithmetic3A_166 = arith.shrsi %squeeze3A_160, %shift_right_arithmetic3A_165 : i32
    %mul3A_167 = arith.constant 128 : i32
    %mul3A_168 = arith.muli %shift_right_arithmetic3A_166, %mul3A_167 : i32
    %dma_start3A_169 = arith.constant 3 : i32
    %dma_start3A_170 = arith.constant 3 : i32
    %dma_start3A_171 = arith.constant 0 : i32
    %dma_start3A_172 = arith.constant 0 : i32
    %dma_start3A_173 = tpu.memref_slice %arg9[%dma_start3A_169, %dma_start3A_171, %dma_start3A_172] : memref<14x32x128xf32, #tpu.memory_space<vmem>> -> memref<1x32x128xf32, #tpu.memory_space<vmem>>
    %dma_start3A_174 = tpu.memref_squeeze %dma_start3A_173 : memref<1x32x128xf32, #tpu.memory_space<vmem>> -> memref<32x128xf32, #tpu.memory_space<vmem>>
    %dma_start3A_175 = arith.constant 0 : i32
    %dma_start3A_176 = tpu.memref_slice %arg4[%dma_start3A_175, %mul3A_164] : memref<32x1000000xf32, #tpu.memory_space<hbm>> -> memref<32x128xf32, #tpu.memory_space<hbm>>
    %dma_start3A_177 = tpu.memref_slice %arg12[%dma_start3A_170] : memref<14x!tpu.dma_semaphore, #tpu.memory_space<semaphore_mem>> -> memref<1x!tpu.dma_semaphore, #tpu.memory_space<semaphore_mem>>
    %dma_start3A_178 = tpu.memref_squeeze %dma_start3A_177 : memref<1x!tpu.dma_semaphore, #tpu.memory_space<semaphore_mem>> -> memref<!tpu.dma_semaphore, #tpu.memory_space<semaphore_mem>>
    %dma_start3A_179 = arith.constant 0 : i32
    %dma_start3A_180 = arith.constant 0 : i32
    %dma_start3A_181 = tpu.memref_slice %arg9[%dma_start3A_169, %dma_start3A_179, %dma_start3A_180] : memref<14x32x128xf32, #tpu.memory_space<vmem>> -> memref<1x32x128xf32, #tpu.memory_space<vmem>>
    %dma_start3A_182 = tpu.memref_squeeze %dma_start3A_181 : memref<1x32x128xf32, #tpu.memory_space<vmem>> -> memref<32x128xf32, #tpu.memory_space<vmem>>
    %dma_start3A_183 = arith.constant 0 : i32
    %dma_start3A_184 = tpu.memref_slice %arg4[%dma_start3A_183, %mul3A_164] : memref<32x1000000xf32, #tpu.memory_space<hbm>> -> memref<32x128xf32, #tpu.memory_space<hbm>>
    tpu.enqueue_dma source(%dma_start3A_184 : memref<32x128xf32, #tpu.memory_space<hbm>>) target(%dma_start3A_182 : memref<32x128xf32, #tpu.memory_space<vmem>>) target_semaphore(%dma_start3A_178 : memref<!tpu.dma_semaphore, #tpu.memory_space<semaphore_mem>>)
    %dma_start3A_185 = arith.constant 3 : i32
    %dma_start3A_186 = arith.constant 3 : i32
    %dma_start3A_187 = arith.constant 0 : i32
    %dma_start3A_188 = arith.constant 0 : i32
    %dma_start3A_189 = tpu.memref_slice %arg10[%dma_start3A_185, %dma_start3A_187, %dma_start3A_188] : memref<14x32x128xf32, #tpu.memory_space<vmem>> -> memref<1x32x128xf32, #tpu.memory_space<vmem>>
    %dma_start3A_190 = tpu.memref_squeeze %dma_start3A_189 : memref<1x32x128xf32, #tpu.memory_space<vmem>> -> memref<32x128xf32, #tpu.memory_space<vmem>>
    %dma_start3A_191 = arith.constant 0 : i32
    %dma_start3A_192 = tpu.memref_slice %arg5[%dma_start3A_191, %mul3A_168] : memref<32x1000000xf32, #tpu.memory_space<hbm>> -> memref<32x128xf32, #tpu.memory_space<hbm>>
    %dma_start3A_193 = tpu.memref_slice %arg12[%dma_start3A_186] : memref<14x!tpu.dma_semaphore, #tpu.memory_space<semaphore_mem>> -> memref<1x!tpu.dma_semaphore, #tpu.memory_space<semaphore_mem>>
    %dma_start3A_194 = tpu.memref_squeeze %dma_start3A_193 : memref<1x!tpu.dma_semaphore, #tpu.memory_space<semaphore_mem>> -> memref<!tpu.dma_semaphore, #tpu.memory_space<semaphore_mem>>
    %dma_start3A_195 = arith.constant 0 : i32
    %dma_start3A_196 = arith.constant 0 : i32
    %dma_start3A_197 = tpu.memref_slice %arg10[%dma_start3A_185, %dma_start3A_195, %dma_start3A_196] : memref<14x32x128xf32, #tpu.memory_space<vmem>> -> memref<1x32x128xf32, #tpu.memory_space<vmem>>
    %dma_start3A_198 = tpu.memref_squeeze %dma_start3A_197 : memref<1x32x128xf32, #tpu.memory_space<vmem>> -> memref<32x128xf32, #tpu.memory_space<vmem>>
    %dma_start3A_199 = arith.constant 0 : i32
    %dma_start3A_200 = tpu.memref_slice %arg5[%dma_start3A_199, %mul3A_168] : memref<32x1000000xf32, #tpu.memory_space<hbm>> -> memref<32x128xf32, #tpu.memory_space<hbm>>
    tpu.enqueue_dma source(%dma_start3A_200 : memref<32x128xf32, #tpu.memory_space<hbm>>) target(%dma_start3A_198 : memref<32x128xf32, #tpu.memory_space<vmem>>) target_semaphore(%dma_start3A_194 : memref<!tpu.dma_semaphore, #tpu.memory_space<semaphore_mem>>)
    %get3A_201 = arith.constant 4 : index
    %get3A_202 = tpu.vector_load %arg7[%get3A_201] {strides = array<i32>} : memref<528xi32, #tpu.memory_space<vmem>>, vector<16xi32>,
    %slice3A_203 = vector.extract_strided_slice %get3A_202 {offsets = [0], sizes = [1], strides = [1]} : vector<16xi32> to vector<1xi32>
    %squeeze3A_204 = vector.extract %slice3A_203[0] : i32 from vector<1xi32>
    %get3A_205 = arith.constant 4 : index
    %get3A_206 = tpu.vector_load %arg8[%get3A_205] {strides = array<i32>} : memref<528xi32, #tpu.memory_space<vmem>>, vector<16xi32>,
    %slice3A_207 = vector.extract_strided_slice %get3A_206 {offsets = [0], sizes = [1], strides = [1]} : vector<16xi32> to vector<1xi32>
    %squeeze3A_208 = vector.extract %slice3A_207[0] : i32 from vector<1xi32>
    %shift_right_arithmetic3A_209 = arith.constant 7 : i32
    %shift_right_arithmetic3A_210 = arith.shrsi %squeeze3A_204, %shift_right_arithmetic3A_209 : i32
    %mul3A_211 = arith.constant 128 : i32
    %mul3A_212 = arith.muli %shift_right_arithmetic3A_210, %mul3A_211 : i32
    %shift_right_arithmetic3A_213 = arith.constant 7 : i32
    %shift_right_arithmetic3A_214 = arith.shrsi %squeeze3A_208, %shift_right_arithmetic3A_213 : i32
    %mul3A_215 = arith.constant 128 : i32
    %mul3A_216 = arith.muli %shift_right_arithmetic3A_214, %mul3A_215 : i32
    %dma_start3A_217 = arith.constant 4 : i32
    %dma_start3A_218 = arith.constant 4 : i32
    %dma_start3A_219 = arith.constant 0 : i32
    %dma_start3A_220 = arith.constant 0 : i32
    %dma_start3A_221 = tpu.memref_slice %arg9[%dma_start3A_217, %dma_start3A_219, %dma_start3A_220] : memref<14x32x128xf32, #tpu.memory_space<vmem>> -> memref<1x32x128xf32, #tpu.memory_space<vmem>>
    %dma_start3A_222 = tpu.memref_squeeze %dma_start3A_221 : memref<1x32x128xf32, #tpu.memory_space<vmem>> -> memref<32x128xf32, #tpu.memory_space<vmem>>
    %dma_start3A_223 = arith.constant 0 : i32
    %dma_start3A_224 = tpu.memref_slice %arg4[%dma_start3A_223, %mul3A_212] : memref<32x1000000xf32, #tpu.memory_space<hbm>> -> memref<32x128xf32, #tpu.memory_space<hbm>>
    %dma_start3A_225 = tpu.memref_slice %arg12[%dma_start3A_218] : memref<14x!tpu.dma_semaphore, #tpu.memory_space<semaphore_mem>> -> memref<1x!tpu.dma_semaphore, #tpu.memory_space<semaphore_mem>>
    %dma_start3A_226 = tpu.memref_squeeze %dma_start3A_225 : memref<1x!tpu.dma_semaphore, #tpu.memory_space<semaphore_mem>> -> memref<!tpu.dma_semaphore, #tpu.memory_space<semaphore_mem>>
    %dma_start3A_227 = arith.constant 0 : i32
    %dma_start3A_228 = arith.constant 0 : i32
    %dma_start3A_229 = tpu.memref_slice %arg9[%dma_start3A_217, %dma_start3A_227, %dma_start3A_228] : memref<14x32x128xf32, #tpu.memory_space<vmem>> -> memref<1x32x128xf32, #tpu.memory_space<vmem>>
    %dma_start3A_230 = tpu.memref_squeeze %dma_start3A_229 : memref<1x32x128xf32, #tpu.memory_space<vmem>> -> memref<32x128xf32, #tpu.memory_space<vmem>>
    %dma_start3A_231 = arith.constant 0 : i32
    %dma_start3A_232 = tpu.memref_slice %arg4[%dma_start3A_231, %mul3A_212] : memref<32x1000000xf32, #tpu.memory_space<hbm>> -> memref<32x128xf32, #tpu.memory_space<hbm>>
    tpu.enqueue_dma source(%dma_start3A_232 : memref<32x128xf32, #tpu.memory_space<hbm>>) target(%dma_start3A_230 : memref<32x128xf32, #tpu.memory_space<vmem>>) target_semaphore(%dma_start3A_226 : memref<!tpu.dma_semaphore, #tpu.memory_space<semaphore_mem>>)
    %dma_start3A_233 = arith.constant 4 : i32
    %dma_start3A_234 = arith.constant 4 : i32
    %dma_start3A_235 = arith.constant 0 : i32
    %dma_start3A_236 = arith.constant 0 : i32
    %dma_start3A_237 = tpu.memref_slice %arg10[%dma_start3A_233, %dma_start3A_235, %dma_start3A_236] : memref<14x32x128xf32, #tpu.memory_space<vmem>> -> memref<1x32x128xf32, #tpu.memory_space<vmem>>
    %dma_start3A_238 = tpu.memref_squeeze %dma_start3A_237 : memref<1x32x128xf32, #tpu.memory_space<vmem>> -> memref<32x128xf32, #tpu.memory_space<vmem>>
    %dma_start3A_239 = arith.constant 0 : i32
    %dma_start3A_240 = tpu.memref_slice %arg5[%dma_start3A_239, %mul3A_216] : memref<32x1000000xf32, #tpu.memory_space<hbm>> -> memref<32x128xf32, #tpu.memory_space<hbm>>
    %dma_start3A_241 = tpu.memref_slice %arg12[%dma_start3A_234] : memref<14x!tpu.dma_semaphore, #tpu.memory_space<semaphore_mem>> -> memref<1x!tpu.dma_semaphore, #tpu.memory_space<semaphore_mem>>
    %dma_start3A_242 = tpu.memref_squeeze %dma_start3A_241 : memref<1x!tpu.dma_semaphore, #tpu.memory_space<semaphore_mem>> -> memref<!tpu.dma_semaphore, #tpu.memory_space<semaphore_mem>>
    %dma_start3A_243 = arith.constant 0 : i32
    %dma_start3A_244 = arith.constant 0 : i32
    %dma_start3A_245 = tpu.memref_slice %arg10[%dma_start3A_233, %dma_start3A_243, %dma_start3A_244] : memref<14x32x128xf32, #tpu.memory_space<vmem>> -> memref<1x32x128xf32, #tpu.memory_space<vmem>>
    %dma_start3A_246 = tpu.memref_squeeze %dma_start3A_245 : memref<1x32x128xf32, #tpu.memory_space<vmem>> -> memref<32x128xf32, #tpu.memory_space<vmem>>
    %dma_start3A_247 = arith.constant 0 : i32
    %dma_start3A_248 = tpu.memref_slice %arg5[%dma_start3A_247, %mul3A_216] : memref<32x1000000xf32, #tpu.memory_space<hbm>> -> memref<32x128xf32, #tpu.memory_space<hbm>>
    tpu.enqueue_dma source(%dma_start3A_248 : memref<32x128xf32, #tpu.memory_space<hbm>>) target(%dma_start3A_246 : memref<32x128xf32, #tpu.memory_space<vmem>>) target_semaphore(%dma_start3A_242 : memref<!tpu.dma_semaphore, #tpu.memory_space<semaphore_mem>>)
    %get3A_249 = arith.constant 5 : index
    %get3A_250 = tpu.vector_load %arg7[%get3A_249] {strides = array<i32>} : memref<528xi32, #tpu.memory_space<vmem>>, vector<16xi32>,
    %slice3A_251 = vector.extract_strided_slice %get3A_250 {offsets = [0], sizes = [1], strides = [1]} : vector<16xi32> to vector<1xi32>
    %squeeze3A_252 = vector.extract %slice3A_251[0] : i32 from vector<1xi32>
    %get3A_253 = arith.constant 5 : index
    %get3A_254 = tpu.vector_load %arg8[%get3A_253] {strides = array<i32>} : memref<528xi32, #tpu.memory_space<vmem>>, vector<16xi32>,
    %slice3A_255 = vector.extract_strided_slice %get3A_254 {offsets = [0], sizes = [1], strides = [1]} : vector<16xi32> to vector<1xi32>
    %squeeze3A_256 = vector.extract %slice3A_255[0] : i32 from vector<1xi32>
    %shift_right_arithmetic3A_257 = arith.constant 7 : i32
    %shift_right_arithmetic3A_258 = arith.shrsi %squeeze3A_252, %shift_right_arithmetic3A_257 : i32
    %mul3A_259 = arith.constant 128 : i32
    %mul3A_260 = arith.muli %shift_right_arithmetic3A_258, %mul3A_259 : i32
    %shift_right_arithmetic3A_261 = arith.constant 7 : i32
    %shift_right_arithmetic3A_262 = arith.shrsi %squeeze3A_256, %shift_right_arithmetic3A_261 : i32
    %mul3A_263 = arith.constant 128 : i32
    %mul3A_264 = arith.muli %shift_right_arithmetic3A_262, %mul3A_263 : i32
    %dma_start3A_265 = arith.constant 5 : i32
    %dma_start3A_266 = arith.constant 5 : i32
    %dma_start3A_267 = arith.constant 0 : i32
    %dma_start3A_268 = arith.constant 0 : i32
    %dma_start3A_269 = tpu.memref_slice %arg9[%dma_start3A_265, %dma_start3A_267, %dma_start3A_268] : memref<14x32x128xf32, #tpu.memory_space<vmem>> -> memref<1x32x128xf32, #tpu.memory_space<vmem>>
    %dma_start3A_270 = tpu.memref_squeeze %dma_start3A_269 : memref<1x32x128xf32, #tpu.memory_space<vmem>> -> memref<32x128xf32, #tpu.memory_space<vmem>>
    %dma_start3A_271 = arith.constant 0 : i32
    %dma_start3A_272 = tpu.memref_slice %arg4[%dma_start3A_271, %mul3A_260] : memref<32x1000000xf32, #tpu.memory_space<hbm>> -> memref<32x128xf32, #tpu.memory_space<hbm>>
    %dma_start3A_273 = tpu.memref_slice %arg12[%dma_start3A_266] : memref<14x!tpu.dma_semaphore, #tpu.memory_space<semaphore_mem>> -> memref<1x!tpu.dma_semaphore, #tpu.memory_space<semaphore_mem>>
    %dma_start3A_274 = tpu.memref_squeeze %dma_start3A_273 : memref<1x!tpu.dma_semaphore, #tpu.memory_space<semaphore_mem>> -> memref<!tpu.dma_semaphore, #tpu.memory_space<semaphore_mem>>
    %dma_start3A_275 = arith.constant 0 : i32
    %dma_start3A_276 = arith.constant 0 : i32
    %dma_start3A_277 = tpu.memref_slice %arg9[%dma_start3A_265, %dma_start3A_275, %dma_start3A_276] : memref<14x32x128xf32, #tpu.memory_space<vmem>> -> memref<1x32x128xf32, #tpu.memory_space<vmem>>
    %dma_start3A_278 = tpu.memref_squeeze %dma_start3A_277 : memref<1x32x128xf32, #tpu.memory_space<vmem>> -> memref<32x128xf32, #tpu.memory_space<vmem>>
    %dma_start3A_279 = arith.constant 0 : i32
    %dma_start3A_280 = tpu.memref_slice %arg4[%dma_start3A_279, %mul3A_260] : memref<32x1000000xf32, #tpu.memory_space<hbm>> -> memref<32x128xf32, #tpu.memory_space<hbm>>
    tpu.enqueue_dma source(%dma_start3A_280 : memref<32x128xf32, #tpu.memory_space<hbm>>) target(%dma_start3A_278 : memref<32x128xf32, #tpu.memory_space<vmem>>) target_semaphore(%dma_start3A_274 : memref<!tpu.dma_semaphore, #tpu.memory_space<semaphore_mem>>)
    %dma_start3A_281 = arith.constant 5 : i32
    %dma_start3A_282 = arith.constant 5 : i32
    %dma_start3A_283 = arith.constant 0 : i32
    %dma_start3A_284 = arith.constant 0 : i32
    %dma_start3A_285 = tpu.memref_slice %arg10[%dma_start3A_281, %dma_start3A_283, %dma_start3A_284] : memref<14x32x128xf32, #tpu.memory_space<vmem>> -> memref<1x32x128xf32, #tpu.memory_space<vmem>>
    %dma_start3A_286 = tpu.memref_squeeze %dma_start3A_285 : memref<1x32x128xf32, #tpu.memory_space<vmem>> -> memref<32x128xf32, #tpu.memory_space<vmem>>
    %dma_start3A_287 = arith.constant 0 : i32
    %dma_start3A_288 = tpu.memref_slice %arg5[%dma_start3A_287, %mul3A_264] : memref<32x1000000xf32, #tpu.memory_space<hbm>> -> memref<32x128xf32, #tpu.memory_space<hbm>>
    %dma_start3A_289 = tpu.memref_slice %arg12[%dma_start3A_282] : memref<14x!tpu.dma_semaphore, #tpu.memory_space<semaphore_mem>> -> memref<1x!tpu.dma_semaphore, #tpu.memory_space<semaphore_mem>>
    %dma_start3A_290 = tpu.memref_squeeze %dma_start3A_289 : memref<1x!tpu.dma_semaphore, #tpu.memory_space<semaphore_mem>> -> memref<!tpu.dma_semaphore, #tpu.memory_space<semaphore_mem>>
    %dma_start3A_291 = arith.constant 0 : i32
    %dma_start3A_292 = arith.constant 0 : i32
    %dma_start3A_293 = tpu.memref_slice %arg10[%dma_start3A_281, %dma_start3A_291, %dma_start3A_292] : memref<14x32x128xf32, #tpu.memory_space<vmem>> -> memref<1x32x128xf32, #tpu.memory_space<vmem>>
    %dma_start3A_294 = tpu.memref_squeeze %dma_start3A_293 : memref<1x32x128xf32, #tpu.memory_space<vmem>> -> memref<32x128xf32, #tpu.memory_space<vmem>>
    %dma_start3A_295 = arith.constant 0 : i32
    %dma_start3A_296 = tpu.memref_slice %arg5[%dma_start3A_295, %mul3A_264] : memref<32x1000000xf32, #tpu.memory_space<hbm>> -> memref<32x128xf32, #tpu.memory_space<hbm>>
    tpu.enqueue_dma source(%dma_start3A_296 : memref<32x128xf32, #tpu.memory_space<hbm>>) target(%dma_start3A_294 : memref<32x128xf32, #tpu.memory_space<vmem>>) target_semaphore(%dma_start3A_290 : memref<!tpu.dma_semaphore, #tpu.memory_space<semaphore_mem>>)
    %get3A_297 = arith.constant 6 : index
    %get3A_298 = tpu.vector_load %arg7[%get3A_297] {strides = array<i32>} : memref<528xi32, #tpu.memory_space<vmem>>, vector<16xi32>,
    %slice3A_299 = vector.extract_strided_slice %get3A_298 {offsets = [0], sizes = [1], strides = [1]} : vector<16xi32> to vector<1xi32>
    %squeeze3A_300 = vector.extract %slice3A_299[0] : i32 from vector<1xi32>
    %get3A_301 = arith.constant 6 : index
    %get3A_302 = tpu.vector_load %arg8[%get3A_301] {strides = array<i32>} : memref<528xi32, #tpu.memory_space<vmem>>, vector<16xi32>,
    %slice3A_303 = vector.extract_strided_slice %get3A_302 {offsets = [0], sizes = [1], strides = [1]} : vector<16xi32> to vector<1xi32>
    %squeeze3A_304 = vector.extract %slice3A_303[0] : i32 from vector<1xi32>
    %shift_right_arithmetic3A_305 = arith.constant 7 : i32
    %shift_right_arithmetic3A_306 = arith.shrsi %squeeze3A_300, %shift_right_arithmetic3A_305 : i32
    %mul3A_307 = arith.constant 128 : i32
    %mul3A_308 = arith.muli %shift_right_arithmetic3A_306, %mul3A_307 : i32
    %shift_right_arithmetic3A_309 = arith.constant 7 : i32
    %shift_right_arithmetic3A_310 = arith.shrsi %squeeze3A_304, %shift_right_arithmetic3A_309 : i32
    %mul3A_311 = arith.constant 128 : i32
    %mul3A_312 = arith.muli %shift_right_arithmetic3A_310, %mul3A_311 : i32
    %dma_start3A_313 = arith.constant 6 : i32
    %dma_start3A_314 = arith.constant 6 : i32
    %dma_start3A_315 = arith.constant 0 : i32
    %dma_start3A_316 = arith.constant 0 : i32
    %dma_start3A_317 = tpu.memref_slice %arg9[%dma_start3A_313, %dma_start3A_315, %dma_start3A_316] : memref<14x32x128xf32, #tpu.memory_space<vmem>> -> memref<1x32x128xf32, #tpu.memory_space<vmem>>
    %dma_start3A_318 = tpu.memref_squeeze %dma_start3A_317 : memref<1x32x128xf32, #tpu.memory_space<vmem>> -> memref<32x128xf32, #tpu.memory_space<vmem>>
    %dma_start3A_319 = arith.constant 0 : i32
    %dma_start3A_320 = tpu.memref_slice %arg4[%dma_start3A_319, %mul3A_308] : memref<32x1000000xf32, #tpu.memory_space<hbm>> -> memref<32x128xf32, #tpu.memory_space<hbm>>
    %dma_start3A_321 = tpu.memref_slice %arg12[%dma_start3A_314] : memref<14x!tpu.dma_semaphore, #tpu.memory_space<semaphore_mem>> -> memref<1x!tpu.dma_semaphore, #tpu.memory_space<semaphore_mem>>
    %dma_start3A_322 = tpu.memref_squeeze %dma_start3A_321 : memref<1x!tpu.dma_semaphore, #tpu.memory_space<semaphore_mem>> -> memref<!tpu.dma_semaphore, #tpu.memory_space<semaphore_mem>>
    %dma_start3A_323 = arith.constant 0 : i32
    %dma_start3A_324 = arith.constant 0 : i32
    %dma_start3A_325 = tpu.memref_slice %arg9[%dma_start3A_313, %dma_start3A_323, %dma_start3A_324] : memref<14x32x128xf32, #tpu.memory_space<vmem>> -> memref<1x32x128xf32, #tpu.memory_space<vmem>>
    %dma_start3A_326 = tpu.memref_squeeze %dma_start3A_325 : memref<1x32x128xf32, #tpu.memory_space<vmem>> -> memref<32x128xf32, #tpu.memory_space<vmem>>
    %dma_start3A_327 = arith.constant 0 : i32
    %dma_start3A_328 = tpu.memref_slice %arg4[%dma_start3A_327, %mul3A_308] : memref<32x1000000xf32, #tpu.memory_space<hbm>> -> memref<32x128xf32, #tpu.memory_space<hbm>>
    tpu.enqueue_dma source(%dma_start3A_328 : memref<32x128xf32, #tpu.memory_space<hbm>>) target(%dma_start3A_326 : memref<32x128xf32, #tpu.memory_space<vmem>>) target_semaphore(%dma_start3A_322 : memref<!tpu.dma_semaphore, #tpu.memory_space<semaphore_mem>>)
    %dma_start3A_329 = arith.constant 6 : i32
    %dma_start3A_330 = arith.constant 6 : i32
    %dma_start3A_331 = arith.constant 0 : i32
    %dma_start3A_332 = arith.constant 0 : i32
    %dma_start3A_333 = tpu.memref_slice %arg10[%dma_start3A_329, %dma_start3A_331, %dma_start3A_332] : memref<14x32x128xf32, #tpu.memory_space<vmem>> -> memref<1x32x128xf32, #tpu.memory_space<vmem>>
    %dma_start3A_334 = tpu.memref_squeeze %dma_start3A_333 : memref<1x32x128xf32, #tpu.memory_space<vmem>> -> memref<32x128xf32, #tpu.memory_space<vmem>>
    %dma_start3A_335 = arith.constant 0 : i32
    %dma_start3A_336 = tpu.memref_slice %arg5[%dma_start3A_335, %mul3A_312] : memref<32x1000000xf32, #tpu.memory_space<hbm>> -> memref<32x128xf32, #tpu.memory_space<hbm>>
    %dma_start3A_337 = tpu.memref_slice %arg12[%dma_start3A_330] : memref<14x!tpu.dma_semaphore, #tpu.memory_space<semaphore_mem>> -> memref<1x!tpu.dma_semaphore, #tpu.memory_space<semaphore_mem>>
    %dma_start3A_338 = tpu.memref_squeeze %dma_start3A_337 : memref<1x!tpu.dma_semaphore, #tpu.memory_space<semaphore_mem>> -> memref<!tpu.dma_semaphore, #tpu.memory_space<semaphore_mem>>
    %dma_start3A_339 = arith.constant 0 : i32
    %dma_start3A_340 = arith.constant 0 : i32
    %dma_start3A_341 = tpu.memref_slice %arg10[%dma_start3A_329, %dma_start3A_339, %dma_start3A_340] : memref<14x32x128xf32, #tpu.memory_space<vmem>> -> memref<1x32x128xf32, #tpu.memory_space<vmem>>
    %dma_start3A_342 = tpu.memref_squeeze %dma_start3A_341 : memref<1x32x128xf32, #tpu.memory_space<vmem>> -> memref<32x128xf32, #tpu.memory_space<vmem>>
    %dma_start3A_343 = arith.constant 0 : i32
    %dma_start3A_344 = tpu.memref_slice %arg5[%dma_start3A_343, %mul3A_312] : memref<32x1000000xf32, #tpu.memory_space<hbm>> -> memref<32x128xf32, #tpu.memory_space<hbm>>
    tpu.enqueue_dma source(%dma_start3A_344 : memref<32x128xf32, #tpu.memory_space<hbm>>) target(%dma_start3A_342 : memref<32x128xf32, #tpu.memory_space<vmem>>) target_semaphore(%dma_start3A_338 : memref<!tpu.dma_semaphore, #tpu.memory_space<semaphore_mem>>)
    %get3A_345 = arith.constant 7 : index
    %get3A_346 = tpu.vector_load %arg7[%get3A_345] {strides = array<i32>} : memref<528xi32, #tpu.memory_space<vmem>>, vector<16xi32>,
    %slice3A_347 = vector.extract_strided_slice %get3A_346 {offsets = [0], sizes = [1], strides = [1]} : vector<16xi32> to vector<1xi32>
    %squeeze3A_348 = vector.extract %slice3A_347[0] : i32 from vector<1xi32>
    %get3A_349 = arith.constant 7 : index
    %get3A_350 = tpu.vector_load %arg8[%get3A_349] {strides = array<i32>} : memref<528xi32, #tpu.memory_space<vmem>>, vector<16xi32>,
    %slice3A_351 = vector.extract_strided_slice %get3A_350 {offsets = [0], sizes = [1], strides = [1]} : vector<16xi32> to vector<1xi32>
    %squeeze3A_352 = vector.extract %slice3A_351[0] : i32 from vector<1xi32>
    %shift_right_arithmetic3A_353 = arith.constant 7 : i32
    %shift_right_arithmetic3A_354 = arith.shrsi %squeeze3A_348, %shift_right_arithmetic3A_353 : i32
    %mul3A_355 = arith.constant 128 : i32
    %mul3A_356 = arith.muli %shift_right_arithmetic3A_354, %mul3A_355 : i32
    %shift_right_arithmetic3A_357 = arith.constant 7 : i32
    %shift_right_arithmetic3A_358 = arith.shrsi %squeeze3A_352, %shift_right_arithmetic3A_357 : i32
    %mul3A_359 = arith.constant 128 : i32
    %mul3A_360 = arith.muli %shift_right_arithmetic3A_358, %mul3A_359 : i32
    %dma_start3A_361 = arith.constant 7 : i32
    %dma_start3A_362 = arith.constant 7 : i32
    %dma_start3A_363 = arith.constant 0 : i32
    %dma_start3A_364 = arith.constant 0 : i32
    %dma_start3A_365 = tpu.memref_slice %arg9[%dma_start3A_361, %dma_start3A_363, %dma_start3A_364] : memref<14x32x128xf32, #tpu.memory_space<vmem>> -> memref<1x32x128xf32, #tpu.memory_space<vmem>>
    %dma_start3A_366 = tpu.memref_squeeze %dma_start3A_365 : memref<1x32x128xf32, #tpu.memory_space<vmem>> -> memref<32x128xf32, #tpu.memory_space<vmem>>
    %dma_start3A_367 = arith.constant 0 : i32
    %dma_start3A_368 = tpu.memref_slice %arg4[%dma_start3A_367, %mul3A_356] : memref<32x1000000xf32, #tpu.memory_space<hbm>> -> memref<32x128xf32, #tpu.memory_space<hbm>>
    %dma_start3A_369 = tpu.memref_slice %arg12[%dma_start3A_362] : memref<14x!tpu.dma_semaphore, #tpu.memory_space<semaphore_mem>> -> memref<1x!tpu.dma_semaphore, #tpu.memory_space<semaphore_mem>>
    %dma_start3A_370 = tpu.memref_squeeze %dma_start3A_369 : memref<1x!tpu.dma_semaphore, #tpu.memory_space<semaphore_mem>> -> memref<!tpu.dma_semaphore, #tpu.memory_space<semaphore_mem>>
    %dma_start3A_371 = arith.constant 0 : i32
    %dma_start3A_372 = arith.constant 0 : i32
    %dma_start3A_373 = tpu.memref_slice %arg9[%dma_start3A_361, %dma_start3A_371, %dma_start3A_372] : memref<14x32x128xf32, #tpu.memory_space<vmem>> -> memref<1x32x128xf32, #tpu.memory_space<vmem>>
    %dma_start3A_374 = tpu.memref_squeeze %dma_start3A_373 : memref<1x32x128xf32, #tpu.memory_space<vmem>> -> memref<32x128xf32, #tpu.memory_space<vmem>>
    %dma_start3A_375 = arith.constant 0 : i32
    %dma_start3A_376 = tpu.memref_slice %arg4[%dma_start3A_375, %mul3A_356] : memref<32x1000000xf32, #tpu.memory_space<hbm>> -> memref<32x128xf32, #tpu.memory_space<hbm>>
    tpu.enqueue_dma source(%dma_start3A_376 : memref<32x128xf32, #tpu.memory_space<hbm>>) target(%dma_start3A_374 : memref<32x128xf32, #tpu.memory_space<vmem>>) target_semaphore(%dma_start3A_370 : memref<!tpu.dma_semaphore, #tpu.memory_space<semaphore_mem>>)
    %dma_start3A_377 = arith.constant 7 : i32
    %dma_start3A_378 = arith.constant 7 : i32
    %dma_start3A_379 = arith.constant 0 : i32
    %dma_start3A_380 = arith.constant 0 : i32
    %dma_start3A_381 = tpu.memref_slice %arg10[%dma_start3A_377, %dma_start3A_379, %dma_start3A_380] : memref<14x32x128xf32, #tpu.memory_space<vmem>> -> memref<1x32x128xf32, #tpu.memory_space<vmem>>
    %dma_start3A_382 = tpu.memref_squeeze %dma_start3A_381 : memref<1x32x128xf32, #tpu.memory_space<vmem>> -> memref<32x128xf32, #tpu.memory_space<vmem>>
    %dma_start3A_383 = arith.constant 0 : i32
    %dma_start3A_384 = tpu.memref_slice %arg5[%dma_start3A_383, %mul3A_360] : memref<32x1000000xf32, #tpu.memory_space<hbm>> -> memref<32x128xf32, #tpu.memory_space<hbm>>
    %dma_start3A_385 = tpu.memref_slice %arg12[%dma_start3A_378] : memref<14x!tpu.dma_semaphore, #tpu.memory_space<semaphore_mem>> -> memref<1x!tpu.dma_semaphore, #tpu.memory_space<semaphore_mem>>
    %dma_start3A_386 = tpu.memref_squeeze %dma_start3A_385 : memref<1x!tpu.dma_semaphore, #tpu.memory_space<semaphore_mem>> -> memref<!tpu.dma_semaphore, #tpu.memory_space<semaphore_mem>>
    %dma_start3A_387 = arith.constant 0 : i32
    %dma_start3A_388 = arith.constant 0 : i32
    %dma_start3A_389 = tpu.memref_slice %arg10[%dma_start3A_377, %dma_start3A_387, %dma_start3A_388] : memref<14x32x128xf32, #tpu.memory_space<vmem>> -> memref<1x32x128xf32, #tpu.memory_space<vmem>>
    %dma_start3A_390 = tpu.memref_squeeze %dma_start3A_389 : memref<1x32x128xf32, #tpu.memory_space<vmem>> -> memref<32x128xf32, #tpu.memory_space<vmem>>
    %dma_start3A_391 = arith.constant 0 : i32
    %dma_start3A_392 = tpu.memref_slice %arg5[%dma_start3A_391, %mul3A_360] : memref<32x1000000xf32, #tpu.memory_space<hbm>> -> memref<32x128xf32, #tpu.memory_space<hbm>>
    tpu.enqueue_dma source(%dma_start3A_392 : memref<32x128xf32, #tpu.memory_space<hbm>>) target(%dma_start3A_390 : memref<32x128xf32, #tpu.memory_space<vmem>>) target_semaphore(%dma_start3A_386 : memref<!tpu.dma_semaphore, #tpu.memory_space<semaphore_mem>>)
    %get3A_393 = arith.constant 8 : index
    %get3A_394 = tpu.vector_load %arg7[%get3A_393] {strides = array<i32>} : memref<528xi32, #tpu.memory_space<vmem>>, vector<16xi32>,
    %slice3A_395 = vector.extract_strided_slice %get3A_394 {offsets = [0], sizes = [1], strides = [1]} : vector<16xi32> to vector<1xi32>
    %squeeze3A_396 = vector.extract %slice3A_395[0] : i32 from vector<1xi32>
    %get3A_397 = arith.constant 8 : index
    %get3A_398 = tpu.vector_load %arg8[%get3A_397] {strides = array<i32>} : memref<528xi32, #tpu.memory_space<vmem>>, vector<16xi32>,
    %slice3A_399 = vector.extract_strided_slice %get3A_398 {offsets = [0], sizes = [1], strides = [1]} : vector<16xi32> to vector<1xi32>
    %squeeze3A_400 = vector.extract %slice3A_399[0] : i32 from vector<1xi32>
    %shift_right_arithmetic3A_401 = arith.constant 7 : i32
    %shift_right_arithmetic3A_402 = arith.shrsi %squeeze3A_396, %shift_right_arithmetic3A_401 : i32
    %mul3A_403 = arith.constant 128 : i32
    %mul3A_404 = arith.muli %shift_right_arithmetic3A_402, %mul3A_403 : i32
    %shift_right_arithmetic3A_405 = arith.constant 7 : i32
    %shift_right_arithmetic3A_406 = arith.shrsi %squeeze3A_400, %shift_right_arithmetic3A_405 : i32
    %mul3A_407 = arith.constant 128 : i32
    %mul3A_408 = arith.muli %shift_right_arithmetic3A_406, %mul3A_407 : i32
    %dma_start3A_409 = arith.constant 8 : i32
    %dma_start3A_410 = arith.constant 8 : i32
    %dma_start3A_411 = arith.constant 0 : i32
    %dma_start3A_412 = arith.constant 0 : i32
    %dma_start3A_413 = tpu.memref_slice %arg9[%dma_start3A_409, %dma_start3A_411, %dma_start3A_412] : memref<14x32x128xf32, #tpu.memory_space<vmem>> -> memref<1x32x128xf32, #tpu.memory_space<vmem>>
    %dma_start3A_414 = tpu.memref_squeeze %dma_start3A_413 : memref<1x32x128xf32, #tpu.memory_space<vmem>> -> memref<32x128xf32, #tpu.memory_space<vmem>>
    %dma_start3A_415 = arith.constant 0 : i32
    %dma_start3A_416 = tpu.memref_slice %arg4[%dma_start3A_415, %mul3A_404] : memref<32x1000000xf32, #tpu.memory_space<hbm>> -> memref<32x128xf32, #tpu.memory_space<hbm>>
    %dma_start3A_417 = tpu.memref_slice %arg12[%dma_start3A_410] : memref<14x!tpu.dma_semaphore, #tpu.memory_space<semaphore_mem>> -> memref<1x!tpu.dma_semaphore, #tpu.memory_space<semaphore_mem>>
    %dma_start3A_418 = tpu.memref_squeeze %dma_start3A_417 : memref<1x!tpu.dma_semaphore, #tpu.memory_space<semaphore_mem>> -> memref<!tpu.dma_semaphore, #tpu.memory_space<semaphore_mem>>
    %dma_start3A_419 = arith.constant 0 : i32
    %dma_start3A_420 = arith.constant 0 : i32
    %dma_start3A_421 = tpu.memref_slice %arg9[%dma_start3A_409, %dma_start3A_419, %dma_start3A_420] : memref<14x32x128xf32, #tpu.memory_space<vmem>> -> memref<1x32x128xf32, #tpu.memory_space<vmem>>
    %dma_start3A_422 = tpu.memref_squeeze %dma_start3A_421 : memref<1x32x128xf32, #tpu.memory_space<vmem>> -> memref<32x128xf32, #tpu.memory_space<vmem>>
    %dma_start3A_423 = arith.constant 0 : i32
    %dma_start3A_424 = tpu.memref_slice %arg4[%dma_start3A_423, %mul3A_404] : memref<32x1000000xf32, #tpu.memory_space<hbm>> -> memref<32x128xf32, #tpu.memory_space<hbm>>
    tpu.enqueue_dma source(%dma_start3A_424 : memref<32x128xf32, #tpu.memory_space<hbm>>) target(%dma_start3A_422 : memref<32x128xf32, #tpu.memory_space<vmem>>) target_semaphore(%dma_start3A_418 : memref<!tpu.dma_semaphore, #tpu.memory_space<semaphore_mem>>)
    %dma_start3A_425 = arith.constant 8 : i32
    %dma_start3A_426 = arith.constant 8 : i32
    %dma_start3A_427 = arith.constant 0 : i32
    %dma_start3A_428 = arith.constant 0 : i32
    %dma_start3A_429 = tpu.memref_slice %arg10[%dma_start3A_425, %dma_start3A_427, %dma_start3A_428] : memref<14x32x128xf32, #tpu.memory_space<vmem>> -> memref<1x32x128xf32, #tpu.memory_space<vmem>>
    %dma_start3A_430 = tpu.memref_squeeze %dma_start3A_429 : memref<1x32x128xf32, #tpu.memory_space<vmem>> -> memref<32x128xf32, #tpu.memory_space<vmem>>
    %dma_start3A_431 = arith.constant 0 : i32
    %dma_start3A_432 = tpu.memref_slice %arg5[%dma_start3A_431, %mul3A_408] : memref<32x1000000xf32, #tpu.memory_space<hbm>> -> memref<32x128xf32, #tpu.memory_space<hbm>>
    %dma_start3A_433 = tpu.memref_slice %arg12[%dma_start3A_426] : memref<14x!tpu.dma_semaphore, #tpu.memory_space<semaphore_mem>> -> memref<1x!tpu.dma_semaphore, #tpu.memory_space<semaphore_mem>>
    %dma_start3A_434 = tpu.memref_squeeze %dma_start3A_433 : memref<1x!tpu.dma_semaphore, #tpu.memory_space<semaphore_mem>> -> memref<!tpu.dma_semaphore, #tpu.memory_space<semaphore_mem>>
    %dma_start3A_435 = arith.constant 0 : i32
    %dma_start3A_436 = arith.constant 0 : i32
    %dma_start3A_437 = tpu.memref_slice %arg10[%dma_start3A_425, %dma_start3A_435, %dma_start3A_436] : memref<14x32x128xf32, #tpu.memory_space<vmem>> -> memref<1x32x128xf32, #tpu.memory_space<vmem>>
    %dma_start3A_438 = tpu.memref_squeeze %dma_start3A_437 : memref<1x32x128xf32, #tpu.memory_space<vmem>> -> memref<32x128xf32, #tpu.memory_space<vmem>>
    %dma_start3A_439 = arith.constant 0 : i32
    %dma_start3A_440 = tpu.memref_slice %arg5[%dma_start3A_439, %mul3A_408] : memref<32x1000000xf32, #tpu.memory_space<hbm>> -> memref<32x128xf32, #tpu.memory_space<hbm>>
    tpu.enqueue_dma source(%dma_start3A_440 : memref<32x128xf32, #tpu.memory_space<hbm>>) target(%dma_start3A_438 : memref<32x128xf32, #tpu.memory_space<vmem>>) target_semaphore(%dma_start3A_434 : memref<!tpu.dma_semaphore, #tpu.memory_space<semaphore_mem>>)
    %get3A_441 = arith.constant 9 : index
    %get3A_442 = tpu.vector_load %arg7[%get3A_441] {strides = array<i32>} : memref<528xi32, #tpu.memory_space<vmem>>, vector<16xi32>,
    %slice3A_443 = vector.extract_strided_slice %get3A_442 {offsets = [0], sizes = [1], strides = [1]} : vector<16xi32> to vector<1xi32>
    %squeeze3A_444 = vector.extract %slice3A_443[0] : i32 from vector<1xi32>
    %get3A_445 = arith.constant 9 : index
    %get3A_446 = tpu.vector_load %arg8[%get3A_445] {strides = array<i32>} : memref<528xi32, #tpu.memory_space<vmem>>, vector<16xi32>,
    %slice3A_447 = vector.extract_strided_slice %get3A_446 {offsets = [0], sizes = [1], strides = [1]} : vector<16xi32> to vector<1xi32>
    %squeeze3A_448 = vector.extract %slice3A_447[0] : i32 from vector<1xi32>
    %shift_right_arithmetic3A_449 = arith.constant 7 : i32
    %shift_right_arithmetic3A_450 = arith.shrsi %squeeze3A_444, %shift_right_arithmetic3A_449 : i32
    %mul3A_451 = arith.constant 128 : i32
    %mul3A_452 = arith.muli %shift_right_arithmetic3A_450, %mul3A_451 : i32
    %shift_right_arithmetic3A_453 = arith.constant 7 : i32
    %shift_right_arithmetic3A_454 = arith.shrsi %squeeze3A_448, %shift_right_arithmetic3A_453 : i32
    %mul3A_455 = arith.constant 128 : i32
    %mul3A_456 = arith.muli %shift_right_arithmetic3A_454, %mul3A_455 : i32
    %dma_start3A_457 = arith.constant 9 : i32
    %dma_start3A_458 = arith.constant 9 : i32
    %dma_start3A_459 = arith.constant 0 : i32
    %dma_start3A_460 = arith.constant 0 : i32
    %dma_start3A_461 = tpu.memref_slice %arg9[%dma_start3A_457, %dma_start3A_459, %dma_start3A_460] : memref<14x32x128xf32, #tpu.memory_space<vmem>> -> memref<1x32x128xf32, #tpu.memory_space<vmem>>
    %dma_start3A_462 = tpu.memref_squeeze %dma_start3A_461 : memref<1x32x128xf32, #tpu.memory_space<vmem>> -> memref<32x128xf32, #tpu.memory_space<vmem>>
    %dma_start3A_463 = arith.constant 0 : i32
    %dma_start3A_464 = tpu.memref_slice %arg4[%dma_start3A_463, %mul3A_452] : memref<32x1000000xf32, #tpu.memory_space<hbm>> -> memref<32x128xf32, #tpu.memory_space<hbm>>
    %dma_start3A_465 = tpu.memref_slice %arg12[%dma_start3A_458] : memref<14x!tpu.dma_semaphore, #tpu.memory_space<semaphore_mem>> -> memref<1x!tpu.dma_semaphore, #tpu.memory_space<semaphore_mem>>
    %dma_start3A_466 = tpu.memref_squeeze %dma_start3A_465 : memref<1x!tpu.dma_semaphore, #tpu.memory_space<semaphore_mem>> -> memref<!tpu.dma_semaphore, #tpu.memory_space<semaphore_mem>>
    %dma_start3A_467 = arith.constant 0 : i32
    %dma_start3A_468 = arith.constant 0 : i32
    %dma_start3A_469 = tpu.memref_slice %arg9[%dma_start3A_457, %dma_start3A_467, %dma_start3A_468] : memref<14x32x128xf32, #tpu.memory_space<vmem>> -> memref<1x32x128xf32, #tpu.memory_space<vmem>>
    %dma_start3A_470 = tpu.memref_squeeze %dma_start3A_469 : memref<1x32x128xf32, #tpu.memory_space<vmem>> -> memref<32x128xf32, #tpu.memory_space<vmem>>
    %dma_start3A_471 = arith.constant 0 : i32
    %dma_start3A_472 = tpu.memref_slice %arg4[%dma_start3A_471, %mul3A_452] : memref<32x1000000xf32, #tpu.memory_space<hbm>> -> memref<32x128xf32, #tpu.memory_space<hbm>>
    tpu.enqueue_dma source(%dma_start3A_472 : memref<32x128xf32, #tpu.memory_space<hbm>>) target(%dma_start3A_470 : memref<32x128xf32, #tpu.memory_space<vmem>>) target_semaphore(%dma_start3A_466 : memref<!tpu.dma_semaphore, #tpu.memory_space<semaphore_mem>>)
    %dma_start3A_473 = arith.constant 9 : i32
    %dma_start3A_474 = arith.constant 9 : i32
    %dma_start3A_475 = arith.constant 0 : i32
    %dma_start3A_476 = arith.constant 0 : i32
    %dma_start3A_477 = tpu.memref_slice %arg10[%dma_start3A_473, %dma_start3A_475, %dma_start3A_476] : memref<14x32x128xf32, #tpu.memory_space<vmem>> -> memref<1x32x128xf32, #tpu.memory_space<vmem>>
    %dma_start3A_478 = tpu.memref_squeeze %dma_start3A_477 : memref<1x32x128xf32, #tpu.memory_space<vmem>> -> memref<32x128xf32, #tpu.memory_space<vmem>>
    %dma_start3A_479 = arith.constant 0 : i32
    %dma_start3A_480 = tpu.memref_slice %arg5[%dma_start3A_479, %mul3A_456] : memref<32x1000000xf32, #tpu.memory_space<hbm>> -> memref<32x128xf32, #tpu.memory_space<hbm>>
    %dma_start3A_481 = tpu.memref_slice %arg12[%dma_start3A_474] : memref<14x!tpu.dma_semaphore, #tpu.memory_space<semaphore_mem>> -> memref<1x!tpu.dma_semaphore, #tpu.memory_space<semaphore_mem>>
    %dma_start3A_482 = tpu.memref_squeeze %dma_start3A_481 : memref<1x!tpu.dma_semaphore, #tpu.memory_space<semaphore_mem>> -> memref<!tpu.dma_semaphore, #tpu.memory_space<semaphore_mem>>
    %dma_start3A_483 = arith.constant 0 : i32
    %dma_start3A_484 = arith.constant 0 : i32
    %dma_start3A_485 = tpu.memref_slice %arg10[%dma_start3A_473, %dma_start3A_483, %dma_start3A_484] : memref<14x32x128xf32, #tpu.memory_space<vmem>> -> memref<1x32x128xf32, #tpu.memory_space<vmem>>
    %dma_start3A_486 = tpu.memref_squeeze %dma_start3A_485 : memref<1x32x128xf32, #tpu.memory_space<vmem>> -> memref<32x128xf32, #tpu.memory_space<vmem>>
    %dma_start3A_487 = arith.constant 0 : i32
    %dma_start3A_488 = tpu.memref_slice %arg5[%dma_start3A_487, %mul3A_456] : memref<32x1000000xf32, #tpu.memory_space<hbm>> -> memref<32x128xf32, #tpu.memory_space<hbm>>
    tpu.enqueue_dma source(%dma_start3A_488 : memref<32x128xf32, #tpu.memory_space<hbm>>) target(%dma_start3A_486 : memref<32x128xf32, #tpu.memory_space<vmem>>) target_semaphore(%dma_start3A_482 : memref<!tpu.dma_semaphore, #tpu.memory_space<semaphore_mem>>)
    %get3A_489 = arith.constant 10 : index
    %get3A_490 = tpu.vector_load %arg7[%get3A_489] {strides = array<i32>} : memref<528xi32, #tpu.memory_space<vmem>>, vector<16xi32>,
    %slice3A_491 = vector.extract_strided_slice %get3A_490 {offsets = [0], sizes = [1], strides = [1]} : vector<16xi32> to vector<1xi32>
    %squeeze3A_492 = vector.extract %slice3A_491[0] : i32 from vector<1xi32>
    %get3A_493 = arith.constant 10 : index
    %get3A_494 = tpu.vector_load %arg8[%get3A_493] {strides = array<i32>} : memref<528xi32, #tpu.memory_space<vmem>>, vector<16xi32>,
    %slice3A_495 = vector.extract_strided_slice %get3A_494 {offsets = [0], sizes = [1], strides = [1]} : vector<16xi32> to vector<1xi32>
    %squeeze3A_496 = vector.extract %slice3A_495[0] : i32 from vector<1xi32>
    %shift_right_arithmetic3A_497 = arith.constant 7 : i32
    %shift_right_arithmetic3A_498 = arith.shrsi %squeeze3A_492, %shift_right_arithmetic3A_497 : i32
    %mul3A_499 = arith.constant 128 : i32
    %mul3A_500 = arith.muli %shift_right_arithmetic3A_498, %mul3A_499 : i32
    %shift_right_arithmetic3A_501 = arith.constant 7 : i32
    %shift_right_arithmetic3A_502 = arith.shrsi %squeeze3A_496, %shift_right_arithmetic3A_501 : i32
    %mul3A_503 = arith.constant 128 : i32
    %mul3A_504 = arith.muli %shift_right_arithmetic3A_502, %mul3A_503 : i32
    %dma_start3A_505 = arith.constant 10 : i32
    %dma_start3A_506 = arith.constant 10 : i32
    %dma_start3A_507 = arith.constant 0 : i32
    %dma_start3A_508 = arith.constant 0 : i32
    %dma_start3A_509 = tpu.memref_slice %arg9[%dma_start3A_505, %dma_start3A_507, %dma_start3A_508] : memref<14x32x128xf32, #tpu.memory_space<vmem>> -> memref<1x32x128xf32, #tpu.memory_space<vmem>>
    %dma_start3A_510 = tpu.memref_squeeze %dma_start3A_509 : memref<1x32x128xf32, #tpu.memory_space<vmem>> -> memref<32x128xf32, #tpu.memory_space<vmem>>
    %dma_start3A_511 = arith.constant 0 : i32
    %dma_start3A_512 = tpu.memref_slice %arg4[%dma_start3A_511, %mul3A_500] : memref<32x1000000xf32, #tpu.memory_space<hbm>> -> memref<32x128xf32, #tpu.memory_space<hbm>>
    %dma_start3A_513 = tpu.memref_slice %arg12[%dma_start3A_506] : memref<14x!tpu.dma_semaphore, #tpu.memory_space<semaphore_mem>> -> memref<1x!tpu.dma_semaphore, #tpu.memory_space<semaphore_mem>>
    %dma_start3A_514 = tpu.memref_squeeze %dma_start3A_513 : memref<1x!tpu.dma_semaphore, #tpu.memory_space<semaphore_mem>> -> memref<!tpu.dma_semaphore, #tpu.memory_space<semaphore_mem>>
    %dma_start3A_515 = arith.constant 0 : i32
    %dma_start3A_516 = arith.constant 0 : i32
    %dma_start3A_517 = tpu.memref_slice %arg9[%dma_start3A_505, %dma_start3A_515, %dma_start3A_516] : memref<14x32x128xf32, #tpu.memory_space<vmem>> -> memref<1x32x128xf32, #tpu.memory_space<vmem>>
    %dma_start3A_518 = tpu.memref_squeeze %dma_start3A_517 : memref<1x32x128xf32, #tpu.memory_space<vmem>> -> memref<32x128xf32, #tpu.memory_space<vmem>>
    %dma_start3A_519 = arith.constant 0 : i32
    %dma_start3A_520 = tpu.memref_slice %arg4[%dma_start3A_519, %mul3A_500] : memref<32x1000000xf32, #tpu.memory_space<hbm>> -> memref<32x128xf32, #tpu.memory_space<hbm>>
    tpu.enqueue_dma source(%dma_start3A_520 : memref<32x128xf32, #tpu.memory_space<hbm>>) target(%dma_start3A_518 : memref<32x128xf32, #tpu.memory_space<vmem>>) target_semaphore(%dma_start3A_514 : memref<!tpu.dma_semaphore, #tpu.memory_space<semaphore_mem>>)
    %dma_start3A_521 = arith.constant 10 : i32
    %dma_start3A_522 = arith.constant 10 : i32
    %dma_start3A_523 = arith.constant 0 : i32
    %dma_start3A_524 = arith.constant 0 : i32
    %dma_start3A_525 = tpu.memref_slice %arg10[%dma_start3A_521, %dma_start3A_523, %dma_start3A_524] : memref<14x32x128xf32, #tpu.memory_space<vmem>> -> memref<1x32x128xf32, #tpu.memory_space<vmem>>
    %dma_start3A_526 = tpu.memref_squeeze %dma_start3A_525 : memref<1x32x128xf32, #tpu.memory_space<vmem>> -> memref<32x128xf32, #tpu.memory_space<vmem>>
    %dma_start3A_527 = arith.constant 0 : i32
    %dma_start3A_528 = tpu.memref_slice %arg5[%dma_start3A_527, %mul3A_504] : memref<32x1000000xf32, #tpu.memory_space<hbm>> -> memref<32x128xf32, #tpu.memory_space<hbm>>
    %dma_start3A_529 = tpu.memref_slice %arg12[%dma_start3A_522] : memref<14x!tpu.dma_semaphore, #tpu.memory_space<semaphore_mem>> -> memref<1x!tpu.dma_semaphore, #tpu.memory_space<semaphore_mem>>
    %dma_start3A_530 = tpu.memref_squeeze %dma_start3A_529 : memref<1x!tpu.dma_semaphore, #tpu.memory_space<semaphore_mem>> -> memref<!tpu.dma_semaphore, #tpu.memory_space<semaphore_mem>>
    %dma_start3A_531 = arith.constant 0 : i32
    %dma_start3A_532 = arith.constant 0 : i32
    %dma_start3A_533 = tpu.memref_slice %arg10[%dma_start3A_521, %dma_start3A_531, %dma_start3A_532] : memref<14x32x128xf32, #tpu.memory_space<vmem>> -> memref<1x32x128xf32, #tpu.memory_space<vmem>>
    %dma_start3A_534 = tpu.memref_squeeze %dma_start3A_533 : memref<1x32x128xf32, #tpu.memory_space<vmem>> -> memref<32x128xf32, #tpu.memory_space<vmem>>
    %dma_start3A_535 = arith.constant 0 : i32
    %dma_start3A_536 = tpu.memref_slice %arg5[%dma_start3A_535, %mul3A_504] : memref<32x1000000xf32, #tpu.memory_space<hbm>> -> memref<32x128xf32, #tpu.memory_space<hbm>>
    tpu.enqueue_dma source(%dma_start3A_536 : memref<32x128xf32, #tpu.memory_space<hbm>>) target(%dma_start3A_534 : memref<32x128xf32, #tpu.memory_space<vmem>>) target_semaphore(%dma_start3A_530 : memref<!tpu.dma_semaphore, #tpu.memory_space<semaphore_mem>>)
    %get3A_537 = arith.constant 11 : index
    %get3A_538 = tpu.vector_load %arg7[%get3A_537] {strides = array<i32>} : memref<528xi32, #tpu.memory_space<vmem>>, vector<16xi32>,
    %slice3A_539 = vector.extract_strided_slice %get3A_538 {offsets = [0], sizes = [1], strides = [1]} : vector<16xi32> to vector<1xi32>
    %squeeze3A_540 = vector.extract %slice3A_539[0] : i32 from vector<1xi32>
    %get3A_541 = arith.constant 11 : index
    %get3A_542 = tpu.vector_load %arg8[%get3A_541] {strides = array<i32>} : memref<528xi32, #tpu.memory_space<vmem>>, vector<16xi32>,
    %slice3A_543 = vector.extract_strided_slice %get3A_542 {offsets = [0], sizes = [1], strides = [1]} : vector<16xi32> to vector<1xi32>
    %squeeze3A_544 = vector.extract %slice3A_543[0] : i32 from vector<1xi32>
    %shift_right_arithmetic3A_545 = arith.constant 7 : i32
    %shift_right_arithmetic3A_546 = arith.shrsi %squeeze3A_540, %shift_right_arithmetic3A_545 : i32
    %mul3A_547 = arith.constant 128 : i32
    %mul3A_548 = arith.muli %shift_right_arithmetic3A_546, %mul3A_547 : i32
    %shift_right_arithmetic3A_549 = arith.constant 7 : i32
    %shift_right_arithmetic3A_550 = arith.shrsi %squeeze3A_544, %shift_right_arithmetic3A_549 : i32
    %mul3A_551 = arith.constant 128 : i32
    %mul3A_552 = arith.muli %shift_right_arithmetic3A_550, %mul3A_551 : i32
    %dma_start3A_553 = arith.constant 11 : i32
    %dma_start3A_554 = arith.constant 11 : i32
    %dma_start3A_555 = arith.constant 0 : i32
    %dma_start3A_556 = arith.constant 0 : i32
    %dma_start3A_557 = tpu.memref_slice %arg9[%dma_start3A_553, %dma_start3A_555, %dma_start3A_556] : memref<14x32x128xf32, #tpu.memory_space<vmem>> -> memref<1x32x128xf32, #tpu.memory_space<vmem>>
    %dma_start3A_558 = tpu.memref_squeeze %dma_start3A_557 : memref<1x32x128xf32, #tpu.memory_space<vmem>> -> memref<32x128xf32, #tpu.memory_space<vmem>>
    %dma_start3A_559 = arith.constant 0 : i32
    %dma_start3A_560 = tpu.memref_slice %arg4[%dma_start3A_559, %mul3A_548] : memref<32x1000000xf32, #tpu.memory_space<hbm>> -> memref<32x128xf32, #tpu.memory_space<hbm>>
    %dma_start3A_561 = tpu.memref_slice %arg12[%dma_start3A_554] : memref<14x!tpu.dma_semaphore, #tpu.memory_space<semaphore_mem>> -> memref<1x!tpu.dma_semaphore, #tpu.memory_space<semaphore_mem>>
    %dma_start3A_562 = tpu.memref_squeeze %dma_start3A_561 : memref<1x!tpu.dma_semaphore, #tpu.memory_space<semaphore_mem>> -> memref<!tpu.dma_semaphore, #tpu.memory_space<semaphore_mem>>
    %dma_start3A_563 = arith.constant 0 : i32
    %dma_start3A_564 = arith.constant 0 : i32
    %dma_start3A_565 = tpu.memref_slice %arg9[%dma_start3A_553, %dma_start3A_563, %dma_start3A_564] : memref<14x32x128xf32, #tpu.memory_space<vmem>> -> memref<1x32x128xf32, #tpu.memory_space<vmem>>
    %dma_start3A_566 = tpu.memref_squeeze %dma_start3A_565 : memref<1x32x128xf32, #tpu.memory_space<vmem>> -> memref<32x128xf32, #tpu.memory_space<vmem>>
    %dma_start3A_567 = arith.constant 0 : i32
    %dma_start3A_568 = tpu.memref_slice %arg4[%dma_start3A_567, %mul3A_548] : memref<32x1000000xf32, #tpu.memory_space<hbm>> -> memref<32x128xf32, #tpu.memory_space<hbm>>
    tpu.enqueue_dma source(%dma_start3A_568 : memref<32x128xf32, #tpu.memory_space<hbm>>) target(%dma_start3A_566 : memref<32x128xf32, #tpu.memory_space<vmem>>) target_semaphore(%dma_start3A_562 : memref<!tpu.dma_semaphore, #tpu.memory_space<semaphore_mem>>)
    %dma_start3A_569 = arith.constant 11 : i32
    %dma_start3A_570 = arith.constant 11 : i32
    %dma_start3A_571 = arith.constant 0 : i32
    %dma_start3A_572 = arith.constant 0 : i32
    %dma_start3A_573 = tpu.memref_slice %arg10[%dma_start3A_569, %dma_start3A_571, %dma_start3A_572] : memref<14x32x128xf32, #tpu.memory_space<vmem>> -> memref<1x32x128xf32, #tpu.memory_space<vmem>>
    %dma_start3A_574 = tpu.memref_squeeze %dma_start3A_573 : memref<1x32x128xf32, #tpu.memory_space<vmem>> -> memref<32x128xf32, #tpu.memory_space<vmem>>
    %dma_start3A_575 = arith.constant 0 : i32
    %dma_start3A_576 = tpu.memref_slice %arg5[%dma_start3A_575, %mul3A_552] : memref<32x1000000xf32, #tpu.memory_space<hbm>> -> memref<32x128xf32, #tpu.memory_space<hbm>>
    %dma_start3A_577 = tpu.memref_slice %arg12[%dma_start3A_570] : memref<14x!tpu.dma_semaphore, #tpu.memory_space<semaphore_mem>> -> memref<1x!tpu.dma_semaphore, #tpu.memory_space<semaphore_mem>>
    %dma_start3A_578 = tpu.memref_squeeze %dma_start3A_577 : memref<1x!tpu.dma_semaphore, #tpu.memory_space<semaphore_mem>> -> memref<!tpu.dma_semaphore, #tpu.memory_space<semaphore_mem>>
    %dma_start3A_579 = arith.constant 0 : i32
    %dma_start3A_580 = arith.constant 0 : i32
    %dma_start3A_581 = tpu.memref_slice %arg10[%dma_start3A_569, %dma_start3A_579, %dma_start3A_580] : memref<14x32x128xf32, #tpu.memory_space<vmem>> -> memref<1x32x128xf32, #tpu.memory_space<vmem>>
    %dma_start3A_582 = tpu.memref_squeeze %dma_start3A_581 : memref<1x32x128xf32, #tpu.memory_space<vmem>> -> memref<32x128xf32, #tpu.memory_space<vmem>>
    %dma_start3A_583 = arith.constant 0 : i32
    %dma_start3A_584 = tpu.memref_slice %arg5[%dma_start3A_583, %mul3A_552] : memref<32x1000000xf32, #tpu.memory_space<hbm>> -> memref<32x128xf32, #tpu.memory_space<hbm>>
    tpu.enqueue_dma source(%dma_start3A_584 : memref<32x128xf32, #tpu.memory_space<hbm>>) target(%dma_start3A_582 : memref<32x128xf32, #tpu.memory_space<vmem>>) target_semaphore(%dma_start3A_578 : memref<!tpu.dma_semaphore, #tpu.memory_space<semaphore_mem>>)
    %get3A_585 = arith.constant 12 : index
    %get3A_586 = tpu.vector_load %arg7[%get3A_585] {strides = array<i32>} : memref<528xi32, #tpu.memory_space<vmem>>, vector<16xi32>,
    %slice3A_587 = vector.extract_strided_slice %get3A_586 {offsets = [0], sizes = [1], strides = [1]} : vector<16xi32> to vector<1xi32>
    %squeeze3A_588 = vector.extract %slice3A_587[0] : i32 from vector<1xi32>
    %get3A_589 = arith.constant 12 : index
    %get3A_590 = tpu.vector_load %arg8[%get3A_589] {strides = array<i32>} : memref<528xi32, #tpu.memory_space<vmem>>, vector<16xi32>,
    %slice3A_591 = vector.extract_strided_slice %get3A_590 {offsets = [0], sizes = [1], strides = [1]} : vector<16xi32> to vector<1xi32>
    %squeeze3A_592 = vector.extract %slice3A_591[0] : i32 from vector<1xi32>
    %shift_right_arithmetic3A_593 = arith.constant 7 : i32
    %shift_right_arithmetic3A_594 = arith.shrsi %squeeze3A_588, %shift_right_arithmetic3A_593 : i32
    %mul3A_595 = arith.constant 128 : i32
    %mul3A_596 = arith.muli %shift_right_arithmetic3A_594, %mul3A_595 : i32
    %shift_right_arithmetic3A_597 = arith.constant 7 : i32
    %shift_right_arithmetic3A_598 = arith.shrsi %squeeze3A_592, %shift_right_arithmetic3A_597 : i32
    %mul3A_599 = arith.constant 128 : i32
    %mul3A_600 = arith.muli %shift_right_arithmetic3A_598, %mul3A_599 : i32
    %dma_start3A_601 = arith.constant 12 : i32
    %dma_start3A_602 = arith.constant 12 : i32
    %dma_start3A_603 = arith.constant 0 : i32
    %dma_start3A_604 = arith.constant 0 : i32
    %dma_start3A_605 = tpu.memref_slice %arg9[%dma_start3A_601, %dma_start3A_603, %dma_start3A_604] : memref<14x32x128xf32, #tpu.memory_space<vmem>> -> memref<1x32x128xf32, #tpu.memory_space<vmem>>
    %dma_start3A_606 = tpu.memref_squeeze %dma_start3A_605 : memref<1x32x128xf32, #tpu.memory_space<vmem>> -> memref<32x128xf32, #tpu.memory_space<vmem>>
    %dma_start3A_607 = arith.constant 0 : i32
    %dma_start3A_608 = tpu.memref_slice %arg4[%dma_start3A_607, %mul3A_596] : memref<32x1000000xf32, #tpu.memory_space<hbm>> -> memref<32x128xf32, #tpu.memory_space<hbm>>
    %dma_start3A_609 = tpu.memref_slice %arg12[%dma_start3A_602] : memref<14x!tpu.dma_semaphore, #tpu.memory_space<semaphore_mem>> -> memref<1x!tpu.dma_semaphore, #tpu.memory_space<semaphore_mem>>
    %dma_start3A_610 = tpu.memref_squeeze %dma_start3A_609 : memref<1x!tpu.dma_semaphore, #tpu.memory_space<semaphore_mem>> -> memref<!tpu.dma_semaphore, #tpu.memory_space<semaphore_mem>>
    %dma_start3A_611 = arith.constant 0 : i32
    %dma_start3A_612 = arith.constant 0 : i32
    %dma_start3A_613 = tpu.memref_slice %arg9[%dma_start3A_601, %dma_start3A_611, %dma_start3A_612] : memref<14x32x128xf32, #tpu.memory_space<vmem>> -> memref<1x32x128xf32, #tpu.memory_space<vmem>>
    %dma_start3A_614 = tpu.memref_squeeze %dma_start3A_613 : memref<1x32x128xf32, #tpu.memory_space<vmem>> -> memref<32x128xf32, #tpu.memory_space<vmem>>
    %dma_start3A_615 = arith.constant 0 : i32
    %dma_start3A_616 = tpu.memref_slice %arg4[%dma_start3A_615, %mul3A_596] : memref<32x1000000xf32, #tpu.memory_space<hbm>> -> memref<32x128xf32, #tpu.memory_space<hbm>>
    tpu.enqueue_dma source(%dma_start3A_616 : memref<32x128xf32, #tpu.memory_space<hbm>>) target(%dma_start3A_614 : memref<32x128xf32, #tpu.memory_space<vmem>>) target_semaphore(%dma_start3A_610 : memref<!tpu.dma_semaphore, #tpu.memory_space<semaphore_mem>>)
    %dma_start3A_617 = arith.constant 12 : i32
    %dma_start3A_618 = arith.constant 12 : i32
    %dma_start3A_619 = arith.constant 0 : i32
    %dma_start3A_620 = arith.constant 0 : i32
    %dma_start3A_621 = tpu.memref_slice %arg10[%dma_start3A_617, %dma_start3A_619, %dma_start3A_620] : memref<14x32x128xf32, #tpu.memory_space<vmem>> -> memref<1x32x128xf32, #tpu.memory_space<vmem>>
    %dma_start3A_622 = tpu.memref_squeeze %dma_start3A_621 : memref<1x32x128xf32, #tpu.memory_space<vmem>> -> memref<32x128xf32, #tpu.memory_space<vmem>>
    %dma_start3A_623 = arith.constant 0 : i32
    %dma_start3A_624 = tpu.memref_slice %arg5[%dma_start3A_623, %mul3A_600] : memref<32x1000000xf32, #tpu.memory_space<hbm>> -> memref<32x128xf32, #tpu.memory_space<hbm>>
    %dma_start3A_625 = tpu.memref_slice %arg12[%dma_start3A_618] : memref<14x!tpu.dma_semaphore, #tpu.memory_space<semaphore_mem>> -> memref<1x!tpu.dma_semaphore, #tpu.memory_space<semaphore_mem>>
    %dma_start3A_626 = tpu.memref_squeeze %dma_start3A_625 : memref<1x!tpu.dma_semaphore, #tpu.memory_space<semaphore_mem>> -> memref<!tpu.dma_semaphore, #tpu.memory_space<semaphore_mem>>
    %dma_start3A_627 = arith.constant 0 : i32
    %dma_start3A_628 = arith.constant 0 : i32
    %dma_start3A_629 = tpu.memref_slice %arg10[%dma_start3A_617, %dma_start3A_627, %dma_start3A_628] : memref<14x32x128xf32, #tpu.memory_space<vmem>> -> memref<1x32x128xf32, #tpu.memory_space<vmem>>
    %dma_start3A_630 = tpu.memref_squeeze %dma_start3A_629 : memref<1x32x128xf32, #tpu.memory_space<vmem>> -> memref<32x128xf32, #tpu.memory_space<vmem>>
    %dma_start3A_631 = arith.constant 0 : i32
    %dma_start3A_632 = tpu.memref_slice %arg5[%dma_start3A_631, %mul3A_600] : memref<32x1000000xf32, #tpu.memory_space<hbm>> -> memref<32x128xf32, #tpu.memory_space<hbm>>
    tpu.enqueue_dma source(%dma_start3A_632 : memref<32x128xf32, #tpu.memory_space<hbm>>) target(%dma_start3A_630 : memref<32x128xf32, #tpu.memory_space<vmem>>) target_semaphore(%dma_start3A_626 : memref<!tpu.dma_semaphore, #tpu.memory_space<semaphore_mem>>)
    %get3A_633 = arith.constant 13 : index
    %get3A_634 = tpu.vector_load %arg7[%get3A_633] {strides = array<i32>} : memref<528xi32, #tpu.memory_space<vmem>>, vector<16xi32>,
    %slice3A_635 = vector.extract_strided_slice %get3A_634 {offsets = [0], sizes = [1], strides = [1]} : vector<16xi32> to vector<1xi32>
    %squeeze3A_636 = vector.extract %slice3A_635[0] : i32 from vector<1xi32>
    %get3A_637 = arith.constant 13 : index
    %get3A_638 = tpu.vector_load %arg8[%get3A_637] {strides = array<i32>} : memref<528xi32, #tpu.memory_space<vmem>>, vector<16xi32>,
    %slice3A_639 = vector.extract_strided_slice %get3A_638 {offsets = [0], sizes = [1], strides = [1]} : vector<16xi32> to vector<1xi32>
    %squeeze3A_640 = vector.extract %slice3A_639[0] : i32 from vector<1xi32>
    %shift_right_arithmetic3A_641 = arith.constant 7 : i32
    %shift_right_arithmetic3A_642 = arith.shrsi %squeeze3A_636, %shift_right_arithmetic3A_641 : i32
    %mul3A_643 = arith.constant 128 : i32
    %mul3A_644 = arith.muli %shift_right_arithmetic3A_642, %mul3A_643 : i32
    %shift_right_arithmetic3A_645 = arith.constant 7 : i32
    %shift_right_arithmetic3A_646 = arith.shrsi %squeeze3A_640, %shift_right_arithmetic3A_645 : i32
    %mul3A_647 = arith.constant 128 : i32
    %mul3A_648 = arith.muli %shift_right_arithmetic3A_646, %mul3A_647 : i32
    %dma_start3A_649 = arith.constant 13 : i32
    %dma_start3A_650 = arith.constant 13 : i32
    %dma_start3A_651 = arith.constant 0 : i32
    %dma_start3A_652 = arith.constant 0 : i32
    %dma_start3A_653 = tpu.memref_slice %arg9[%dma_start3A_649, %dma_start3A_651, %dma_start3A_652] : memref<14x32x128xf32, #tpu.memory_space<vmem>> -> memref<1x32x128xf32, #tpu.memory_space<vmem>>
    %dma_start3A_654 = tpu.memref_squeeze %dma_start3A_653 : memref<1x32x128xf32, #tpu.memory_space<vmem>> -> memref<32x128xf32, #tpu.memory_space<vmem>>
    %dma_start3A_655 = arith.constant 0 : i32
    %dma_start3A_656 = tpu.memref_slice %arg4[%dma_start3A_655, %mul3A_644] : memref<32x1000000xf32, #tpu.memory_space<hbm>> -> memref<32x128xf32, #tpu.memory_space<hbm>>
    %dma_start3A_657 = tpu.memref_slice %arg12[%dma_start3A_650] : memref<14x!tpu.dma_semaphore, #tpu.memory_space<semaphore_mem>> -> memref<1x!tpu.dma_semaphore, #tpu.memory_space<semaphore_mem>>
    %dma_start3A_658 = tpu.memref_squeeze %dma_start3A_657 : memref<1x!tpu.dma_semaphore, #tpu.memory_space<semaphore_mem>> -> memref<!tpu.dma_semaphore, #tpu.memory_space<semaphore_mem>>
    %dma_start3A_659 = arith.constant 0 : i32
    %dma_start3A_660 = arith.constant 0 : i32
    %dma_start3A_661 = tpu.memref_slice %arg9[%dma_start3A_649, %dma_start3A_659, %dma_start3A_660] : memref<14x32x128xf32, #tpu.memory_space<vmem>> -> memref<1x32x128xf32, #tpu.memory_space<vmem>>
    %dma_start3A_662 = tpu.memref_squeeze %dma_start3A_661 : memref<1x32x128xf32, #tpu.memory_space<vmem>> -> memref<32x128xf32, #tpu.memory_space<vmem>>
    %dma_start3A_663 = arith.constant 0 : i32
    %dma_start3A_664 = tpu.memref_slice %arg4[%dma_start3A_663, %mul3A_644] : memref<32x1000000xf32, #tpu.memory_space<hbm>> -> memref<32x128xf32, #tpu.memory_space<hbm>>
    tpu.enqueue_dma source(%dma_start3A_664 : memref<32x128xf32, #tpu.memory_space<hbm>>) target(%dma_start3A_662 : memref<32x128xf32, #tpu.memory_space<vmem>>) target_semaphore(%dma_start3A_658 : memref<!tpu.dma_semaphore, #tpu.memory_space<semaphore_mem>>)
    %dma_start3A_665 = arith.constant 13 : i32
    %dma_start3A_666 = arith.constant 13 : i32
    %dma_start3A_667 = arith.constant 0 : i32
    %dma_start3A_668 = arith.constant 0 : i32
    %dma_start3A_669 = tpu.memref_slice %arg10[%dma_start3A_665, %dma_start3A_667, %dma_start3A_668] : memref<14x32x128xf32, #tpu.memory_space<vmem>> -> memref<1x32x128xf32, #tpu.memory_space<vmem>>
    %dma_start3A_670 = tpu.memref_squeeze %dma_start3A_669 : memref<1x32x128xf32, #tpu.memory_space<vmem>> -> memref<32x128xf32, #tpu.memory_space<vmem>>
    %dma_start3A_671 = arith.constant 0 : i32
    %dma_start3A_672 = tpu.memref_slice %arg5[%dma_start3A_671, %mul3A_648] : memref<32x1000000xf32, #tpu.memory_space<hbm>> -> memref<32x128xf32, #tpu.memory_space<hbm>>
    %dma_start3A_673 = tpu.memref_slice %arg12[%dma_start3A_666] : memref<14x!tpu.dma_semaphore, #tpu.memory_space<semaphore_mem>> -> memref<1x!tpu.dma_semaphore, #tpu.memory_space<semaphore_mem>>
    %dma_start3A_674 = tpu.memref_squeeze %dma_start3A_673 : memref<1x!tpu.dma_semaphore, #tpu.memory_space<semaphore_mem>> -> memref<!tpu.dma_semaphore, #tpu.memory_space<semaphore_mem>>
    %dma_start3A_675 = arith.constant 0 : i32
    %dma_start3A_676 = arith.constant 0 : i32
    %dma_start3A_677 = tpu.memref_slice %arg10[%dma_start3A_665, %dma_start3A_675, %dma_start3A_676] : memref<14x32x128xf32, #tpu.memory_space<vmem>> -> memref<1x32x128xf32, #tpu.memory_space<vmem>>
    %dma_start3A_678 = tpu.memref_squeeze %dma_start3A_677 : memref<1x32x128xf32, #tpu.memory_space<vmem>> -> memref<32x128xf32, #tpu.memory_space<vmem>>
    %dma_start3A_679 = arith.constant 0 : i32
    %dma_start3A_680 = tpu.memref_slice %arg5[%dma_start3A_679, %mul3A_648] : memref<32x1000000xf32, #tpu.memory_space<hbm>> -> memref<32x128xf32, #tpu.memory_space<hbm>>
    tpu.enqueue_dma source(%dma_start3A_680 : memref<32x128xf32, #tpu.memory_space<hbm>>) target(%dma_start3A_678 : memref<32x128xf32, #tpu.memory_space<vmem>>) target_semaphore(%dma_start3A_674 : memref<!tpu.dma_semaphore, #tpu.memory_space<semaphore_mem>>)
    %broadcast_in_dim3A = arith.constant 0.000000e+00 : f32
    %broadcast_in_dim3A_681 = vector.broadcast %broadcast_in_dim3A : f32 to vector<16xf32>
    %scan3A = arith.constant 0 : i32
    %scan3A_682 = arith.constant 498 : i32
    %scan3A_683 = arith.addi %scan3A, %scan3A_682 : i32
    %scan3A_684 = arith.constant 1 : i32
    %scan3A_685 = scf.for %scan3A_693 = %scan3A to %scan3A_683 step %scan3A_684 iter_args(%scan3A_694 = %broadcast_in_dim3A_681) -> (vector<16xf32>)  : i32 {
      %rem3A = arith.constant 14 : i32
      %rem3A_695 = arith.remsi %scan3A_693, %rem3A : i32
      %dma_wait3A = arith.constant 0 : i32
      %dma_wait3A_696 = arith.constant 0 : i32
      %dma_wait3A_697 = tpu.memref_slice %arg9[%rem3A_695, %dma_wait3A, %dma_wait3A_696] : memref<14x32x128xf32, #tpu.memory_space<vmem>> -> memref<1x32x128xf32, #tpu.memory_space<vmem>>
      %dma_wait3A_698 = tpu.memref_squeeze %dma_wait3A_697 : memref<1x32x128xf32, #tpu.memory_space<vmem>> -> memref<32x128xf32, #tpu.memory_space<vmem>>
      %dma_wait3A_699 = arith.constant 0 : i32
      %dma_wait3A_700 = arith.constant 0 : i32
      %dma_wait3A_701 = tpu.memref_slice %arg4[%dma_wait3A_699, %dma_wait3A_700] : memref<32x1000000xf32, #tpu.memory_space<hbm>> -> memref<32x128xf32, #tpu.memory_space<hbm>>
      %dma_wait3A_702 = tpu.memref_slice %arg12[%rem3A_695] : memref<14x!tpu.dma_semaphore, #tpu.memory_space<semaphore_mem>> -> memref<1x!tpu.dma_semaphore, #tpu.memory_space<semaphore_mem>>
      %dma_wait3A_703 = tpu.memref_squeeze %dma_wait3A_702 : memref<1x!tpu.dma_semaphore, #tpu.memory_space<semaphore_mem>> -> memref<!tpu.dma_semaphore, #tpu.memory_space<semaphore_mem>>
      %dma_wait3A_704 = arith.constant 0 : i32
      %dma_wait3A_705 = arith.constant 0 : i32
      %dma_wait3A_706 = tpu.memref_slice %arg9[%rem3A_695, %dma_wait3A_704, %dma_wait3A_705] : memref<14x32x128xf32, #tpu.memory_space<vmem>> -> memref<1x32x128xf32, #tpu.memory_space<vmem>>
      %dma_wait3A_707 = tpu.memref_squeeze %dma_wait3A_706 : memref<1x32x128xf32, #tpu.memory_space<vmem>> -> memref<32x128xf32, #tpu.memory_space<vmem>>
      %dma_wait3A_708 = arith.constant 0 : i32
      %dma_wait3A_709 = arith.constant 0 : i32
      %dma_wait3A_710 = tpu.memref_slice %arg4[%dma_wait3A_708, %dma_wait3A_709] : memref<32x1000000xf32, #tpu.memory_space<hbm>> -> memref<32x128xf32, #tpu.memory_space<hbm>>
      tpu.wait_dma2 semaphore(%dma_wait3A_703 : memref<!tpu.dma_semaphore, #tpu.memory_space<semaphore_mem>>) src(%dma_wait3A_710 : memref<32x128xf32, #tpu.memory_space<hbm>>) dst(%dma_wait3A_707 : memref<32x128xf32, #tpu.memory_space<vmem>>)
      %dma_wait3A_711 = arith.constant 0 : i32
      %dma_wait3A_712 = arith.constant 0 : i32
      %dma_wait3A_713 = tpu.memref_slice %arg10[%rem3A_695, %dma_wait3A_711, %dma_wait3A_712] : memref<14x32x128xf32, #tpu.memory_space<vmem>> -> memref<1x32x128xf32, #tpu.memory_space<vmem>>
      %dma_wait3A_714 = tpu.memref_squeeze %dma_wait3A_713 : memref<1x32x128xf32, #tpu.memory_space<vmem>> -> memref<32x128xf32, #tpu.memory_space<vmem>>
      %dma_wait3A_715 = arith.constant 0 : i32
      %dma_wait3A_716 = arith.constant 0 : i32
      %dma_wait3A_717 = tpu.memref_slice %arg5[%dma_wait3A_715, %dma_wait3A_716] : memref<32x1000000xf32, #tpu.memory_space<hbm>> -> memref<32x128xf32, #tpu.memory_space<hbm>>
      %dma_wait3A_718 = tpu.memref_slice %arg12[%rem3A_695] : memref<14x!tpu.dma_semaphore, #tpu.memory_space<semaphore_mem>> -> memref<1x!tpu.dma_semaphore, #tpu.memory_space<semaphore_mem>>
      %dma_wait3A_719 = tpu.memref_squeeze %dma_wait3A_718 : memref<1x!tpu.dma_semaphore, #tpu.memory_space<semaphore_mem>> -> memref<!tpu.dma_semaphore, #tpu.memory_space<semaphore_mem>>
      %dma_wait3A_720 = arith.constant 0 : i32
      %dma_wait3A_721 = arith.constant 0 : i32
      %dma_wait3A_722 = tpu.memref_slice %arg10[%rem3A_695, %dma_wait3A_720, %dma_wait3A_721] : memref<14x32x128xf32, #tpu.memory_space<vmem>> -> memref<1x32x128xf32, #tpu.memory_space<vmem>>
      %dma_wait3A_723 = tpu.memref_squeeze %dma_wait3A_722 : memref<1x32x128xf32, #tpu.memory_space<vmem>> -> memref<32x128xf32, #tpu.memory_space<vmem>>
      %dma_wait3A_724 = arith.constant 0 : i32
      %dma_wait3A_725 = arith.constant 0 : i32
      %dma_wait3A_726 = tpu.memref_slice %arg5[%dma_wait3A_724, %dma_wait3A_725] : memref<32x1000000xf32, #tpu.memory_space<hbm>> -> memref<32x128xf32, #tpu.memory_space<hbm>>
      tpu.wait_dma2 semaphore(%dma_wait3A_719 : memref<!tpu.dma_semaphore, #tpu.memory_space<semaphore_mem>>) src(%dma_wait3A_726 : memref<32x128xf32, #tpu.memory_space<hbm>>) dst(%dma_wait3A_723 : memref<32x128xf32, #tpu.memory_space<vmem>>)
      %get3A_727 = arith.index_cast %scan3A_693 : i32 to index
      %get3A_728 = tpu.vector_load %arg7[%get3A_727] {strides = array<i32>} : memref<528xi32, #tpu.memory_space<vmem>>, vector<16xi32>,
      %slice3A_729 = vector.extract_strided_slice %get3A_728 {offsets = [0], sizes = [1], strides = [1]} : vector<16xi32> to vector<1xi32>
      %squeeze3A_730 = vector.extract %slice3A_729[0] : i32 from vector<1xi32>
      %and3A = arith.constant 127 : i32
      %and3A_731 = arith.andi %squeeze3A_730, %and3A : i32
      %broadcast_in_dim3A_732 = vector.broadcast %and3A_731 : i32 to vector<16xi32>
      %get3A_733 = arith.index_cast %scan3A_693 : i32 to index
      %get3A_734 = tpu.vector_load %arg8[%get3A_733] {strides = array<i32>} : memref<528xi32, #tpu.memory_space<vmem>>, vector<16xi32>,
      %slice3A_735 = vector.extract_strided_slice %get3A_734 {offsets = [0], sizes = [1], strides = [1]} : vector<16xi32> to vector<1xi32>
      %squeeze3A_736 = vector.extract %slice3A_735[0] : i32 from vector<1xi32>
      %and3A_737 = arith.constant 127 : i32
      %and3A_738 = arith.andi %squeeze3A_736, %and3A_737 : i32
      %broadcast_in_dim3A_739 = vector.broadcast %and3A_738 : i32 to vector<16xi32>
      %broadcast_in_dim3A_740 = vector.broadcast %rem3A_695 : i32 to vector<16xi32>
      %gather3A = tpu.vector_load_idx %arg9[%broadcast_in_dim3A_740, %iota3A, %broadcast_in_dim3A_732] : memref<14x32x128xf32, #tpu.memory_space<vmem>>[vector<16xi32>, vector<16xi32>, vector<16xi32>], vector<16xf32>,
      %add3A_741 = arith.constant 16 : i32
      %add3A_742 = vector.broadcast %add3A_741 : i32 to vector<16xi32>
      %add3A_743 = arith.addi %iota3A, %add3A_742 : vector<16xi32>
      %gather3A_744 = tpu.vector_load_idx %arg9[%broadcast_in_dim3A_740, %add3A_743, %broadcast_in_dim3A_732] : memref<14x32x128xf32, #tpu.memory_space<vmem>>[vector<16xi32>, vector<16xi32>, vector<16xi32>], vector<16xf32>,
      %gather3A_745 = tpu.vector_load_idx %arg10[%broadcast_in_dim3A_740, %iota3A, %broadcast_in_dim3A_739] : memref<14x32x128xf32, #tpu.memory_space<vmem>>[vector<16xi32>, vector<16xi32>, vector<16xi32>], vector<16xf32>,
      %add3A_746 = arith.constant 16 : i32
      %add3A_747 = vector.broadcast %add3A_746 : i32 to vector<16xi32>
      %add3A_748 = arith.addi %iota3A, %add3A_747 : vector<16xi32>
      %gather3A_749 = tpu.vector_load_idx %arg10[%broadcast_in_dim3A_740, %add3A_748, %broadcast_in_dim3A_739] : memref<14x32x128xf32, #tpu.memory_space<vmem>>[vector<16xi32>, vector<16xi32>, vector<16xi32>], vector<16xf32>,
      %mul3A_750 = arith.mulf %gather3A, %gather3A_745 : vector<16xf32>
      %mul3A_751 = arith.mulf %gather3A_744, %gather3A_749 : vector<16xf32>
      %add3A_752 = arith.addf %mul3A_750, %mul3A_751 : vector<16xf32>
      %broadcast_in_dim3A_753 = vector.shape_cast %xor3A_4 : vector<16xi32> to vector<16x1xi32>
      %gather3A_754 = vector.shape_cast %broadcast_in_dim3A_753 : vector<16x1xi32> to vector<16xi32>
      %gather3A_755 = tpu.dynamic_gather %add3A_752[%gather3A_754] in [0] : vector<16xf32>, vector<16xi32> -> vector<16xf32>
      %add3A_756 = arith.addf %add3A_752, %gather3A_755 : vector<16xf32>
      %broadcast_in_dim3A_757 = vector.shape_cast %xor3A_7 : vector<16xi32> to vector<16x1xi32>
      %gather3A_758 = vector.shape_cast %broadcast_in_dim3A_757 : vector<16x1xi32> to vector<16xi32>
      %gather3A_759 = tpu.dynamic_gather %add3A_756[%gather3A_758] in [0] : vector<16xf32>, vector<16xi32> -> vector<16xf32>
      %add3A_760 = arith.addf %add3A_756, %gather3A_759 : vector<16xf32>
      %broadcast_in_dim3A_761 = vector.shape_cast %xor3A_10 : vector<16xi32> to vector<16x1xi32>
      %gather3A_762 = vector.shape_cast %broadcast_in_dim3A_761 : vector<16x1xi32> to vector<16xi32>
      %gather3A_763 = tpu.dynamic_gather %add3A_760[%gather3A_762] in [0] : vector<16xf32>, vector<16xi32> -> vector<16xf32>
      %add3A_764 = arith.addf %add3A_760, %gather3A_763 : vector<16xf32>
      %broadcast_in_dim3A_765 = vector.shape_cast %xor3A_13 : vector<16xi32> to vector<16x1xi32>
      %gather3A_766 = vector.shape_cast %broadcast_in_dim3A_765 : vector<16x1xi32> to vector<16xi32>
      %gather3A_767 = tpu.dynamic_gather %add3A_764[%gather3A_766] in [0] : vector<16xf32>, vector<16xi32> -> vector<16xf32>
      %add3A_768 = arith.addf %add3A_764, %gather3A_767 : vector<16xf32>
      %and3A_769 = arith.constant 15 : i32
      %and3A_770 = arith.andi %scan3A_693, %and3A_769 : i32
      %eq3A = vector.broadcast %and3A_770 : i32 to vector<16xi32>
      %eq3A_771 = arith.cmpi eq, %iota3A, %eq3A : vector<16xi32>
      %select_n3A = arith.select %eq3A_771, %add3A_768, %scan3A_694 : vector<16xi1>, vector<16xf32>
      %and3A_772 = arith.constant 15 : i32
      %and3A_773 = arith.andi %scan3A_693, %and3A_772 : i32
      %eq3A_774 = arith.constant 15 : i32
      %eq3A_775 = arith.cmpi eq, %and3A_773, %eq3A_774 : i32
      %convert_element_type3A = arith.extui %eq3A_775 : i1 to i32
      %cond3A = arith.constant 0 : i32
      %cond3A_776 = arith.cmpi ne, %convert_element_type3A, %cond3A : i32
      scf.if %cond3A_776 {
        %and3A_823 = arith.constant -16 : i32
        %and3A_824 = arith.andi %scan3A_693, %and3A_823 : i32
        %swap3A = arith.index_cast %and3A_824 : i32 to index
        %swap3A_825 = tpu.vector_load %arg11[%swap3A] {strides = array<i32>} : memref<512xf32, #tpu.memory_space<vmem>>, vector<16xf32>,
        tpu.vector_store %arg11[%swap3A], %select_n3A {strides = array<i32>} : memref<512xf32, #tpu.memory_space<vmem>>, vector<16xf32>,
      } else {
      }
      %add3A_777 = arith.constant 14 : i32
      %add3A_778 = arith.addi %scan3A_693, %add3A_777 : i32
      %get3A_779 = arith.index_cast %add3A_778 : i32 to index
      %get3A_780 = tpu.vector_load %arg7[%get3A_779] {strides = array<i32>} : memref<528xi32, #tpu.memory_space<vmem>>, vector<16xi32>,
      %slice3A_781 = vector.extract_strided_slice %get3A_780 {offsets = [0], sizes = [1], strides = [1]} : vector<16xi32> to vector<1xi32>
      %squeeze3A_782 = vector.extract %slice3A_781[0] : i32 from vector<1xi32>
      %get3A_783 = arith.index_cast %add3A_778 : i32 to index
      %get3A_784 = tpu.vector_load %arg8[%get3A_783] {strides = array<i32>} : memref<528xi32, #tpu.memory_space<vmem>>, vector<16xi32>,
      %slice3A_785 = vector.extract_strided_slice %get3A_784 {offsets = [0], sizes = [1], strides = [1]} : vector<16xi32> to vector<1xi32>
      %squeeze3A_786 = vector.extract %slice3A_785[0] : i32 from vector<1xi32>
      %shift_right_arithmetic3A_787 = arith.constant 7 : i32
      %shift_right_arithmetic3A_788 = arith.shrsi %squeeze3A_782, %shift_right_arithmetic3A_787 : i32
      %mul3A_789 = arith.constant 128 : i32
      %mul3A_790 = arith.muli %shift_right_arithmetic3A_788, %mul3A_789 : i32
      %shift_right_arithmetic3A_791 = arith.constant 7 : i32
      %shift_right_arithmetic3A_792 = arith.shrsi %squeeze3A_786, %shift_right_arithmetic3A_791 : i32
      %mul3A_793 = arith.constant 128 : i32
      %mul3A_794 = arith.muli %shift_right_arithmetic3A_792, %mul3A_793 : i32
      %dma_start3A_795 = arith.constant 0 : i32
      %dma_start3A_796 = arith.constant 0 : i32
      %dma_start3A_797 = tpu.memref_slice %arg9[%rem3A_695, %dma_start3A_795, %dma_start3A_796] : memref<14x32x128xf32, #tpu.memory_space<vmem>> -> memref<1x32x128xf32, #tpu.memory_space<vmem>>
      %dma_start3A_798 = tpu.memref_squeeze %dma_start3A_797 : memref<1x32x128xf32, #tpu.memory_space<vmem>> -> memref<32x128xf32, #tpu.memory_space<vmem>>
      %dma_start3A_799 = arith.constant 0 : i32
      %dma_start3A_800 = tpu.memref_slice %arg4[%dma_start3A_799, %mul3A_790] : memref<32x1000000xf32, #tpu.memory_space<hbm>> -> memref<32x128xf32, #tpu.memory_space<hbm>>
      %dma_start3A_801 = tpu.memref_slice %arg12[%rem3A_695] : memref<14x!tpu.dma_semaphore, #tpu.memory_space<semaphore_mem>> -> memref<1x!tpu.dma_semaphore, #tpu.memory_space<semaphore_mem>>
      %dma_start3A_802 = tpu.memref_squeeze %dma_start3A_801 : memref<1x!tpu.dma_semaphore, #tpu.memory_space<semaphore_mem>> -> memref<!tpu.dma_semaphore, #tpu.memory_space<semaphore_mem>>
      %dma_start3A_803 = arith.constant 0 : i32
      %dma_start3A_804 = arith.constant 0 : i32
      %dma_start3A_805 = tpu.memref_slice %arg9[%rem3A_695, %dma_start3A_803, %dma_start3A_804] : memref<14x32x128xf32, #tpu.memory_space<vmem>> -> memref<1x32x128xf32, #tpu.memory_space<vmem>>
      %dma_start3A_806 = tpu.memref_squeeze %dma_start3A_805 : memref<1x32x128xf32, #tpu.memory_space<vmem>> -> memref<32x128xf32, #tpu.memory_space<vmem>>
      %dma_start3A_807 = arith.constant 0 : i32
      %dma_start3A_808 = tpu.memref_slice %arg4[%dma_start3A_807, %mul3A_790] : memref<32x1000000xf32, #tpu.memory_space<hbm>> -> memref<32x128xf32, #tpu.memory_space<hbm>>
      tpu.enqueue_dma source(%dma_start3A_808 : memref<32x128xf32, #tpu.memory_space<hbm>>) target(%dma_start3A_806 : memref<32x128xf32, #tpu.memory_space<vmem>>) target_semaphore(%dma_start3A_802 : memref<!tpu.dma_semaphore, #tpu.memory_space<semaphore_mem>>)
      %dma_start3A_809 = arith.constant 0 : i32
      %dma_start3A_810 = arith.constant 0 : i32
      %dma_start3A_811 = tpu.memref_slice %arg10[%rem3A_695, %dma_start3A_809, %dma_start3A_810] : memref<14x32x128xf32, #tpu.memory_space<vmem>> -> memref<1x32x128xf32, #tpu.memory_space<vmem>>
      %dma_start3A_812 = tpu.memref_squeeze %dma_start3A_811 : memref<1x32x128xf32, #tpu.memory_space<vmem>> -> memref<32x128xf32, #tpu.memory_space<vmem>>
      %dma_start3A_813 = arith.constant 0 : i32
      %dma_start3A_814 = tpu.memref_slice %arg5[%dma_start3A_813, %mul3A_794] : memref<32x1000000xf32, #tpu.memory_space<hbm>> -> memref<32x128xf32, #tpu.memory_space<hbm>>
      %dma_start3A_815 = tpu.memref_slice %arg12[%rem3A_695] : memref<14x!tpu.dma_semaphore, #tpu.memory_space<semaphore_mem>> -> memref<1x!tpu.dma_semaphore, #tpu.memory_space<semaphore_mem>>
      %dma_start3A_816 = tpu.memref_squeeze %dma_start3A_815 : memref<1x!tpu.dma_semaphore, #tpu.memory_space<semaphore_mem>> -> memref<!tpu.dma_semaphore, #tpu.memory_space<semaphore_mem>>
      %dma_start3A_817 = arith.constant 0 : i32
      %dma_start3A_818 = arith.constant 0 : i32
      %dma_start3A_819 = tpu.memref_slice %arg10[%rem3A_695, %dma_start3A_817, %dma_start3A_818] : memref<14x32x128xf32, #tpu.memory_space<vmem>> -> memref<1x32x128xf32, #tpu.memory_space<vmem>>
      %dma_start3A_820 = tpu.memref_squeeze %dma_start3A_819 : memref<1x32x128xf32, #tpu.memory_space<vmem>> -> memref<32x128xf32, #tpu.memory_space<vmem>>
      %dma_start3A_821 = arith.constant 0 : i32
      %dma_start3A_822 = tpu.memref_slice %arg5[%dma_start3A_821, %mul3A_794] : memref<32x1000000xf32, #tpu.memory_space<hbm>> -> memref<32x128xf32, #tpu.memory_space<hbm>>
      tpu.enqueue_dma source(%dma_start3A_822 : memref<32x128xf32, #tpu.memory_space<hbm>>) target(%dma_start3A_820 : memref<32x128xf32, #tpu.memory_space<vmem>>) target_semaphore(%dma_start3A_816 : memref<!tpu.dma_semaphore, #tpu.memory_space<semaphore_mem>>)
      scf.yield %select_n3A : vector<16xf32>
    }
    %scan3A_686 = arith.constant 498 : i32
    %scan3A_687 = arith.constant 498 : i32
    %scan3A_688 = arith.constant 14 : i32
    %scan3A_689 = arith.addi %scan3A_687, %scan3A_688 : i32
    %scan3A_690 = arith.constant 1 : i32
    %scan3A_691 = scf.for %scan3A_693 = %scan3A_687 to %scan3A_689 step %scan3A_690 iter_args(%scan3A_694 = %scan3A_685) -> (vector<16xf32>)  : i32 {
      %rem3A = arith.constant 14 : i32
      %rem3A_695 = arith.remsi %scan3A_693, %rem3A : i32
      %dma_wait3A = arith.constant 0 : i32
      %dma_wait3A_696 = arith.constant 0 : i32
      %dma_wait3A_697 = tpu.memref_slice %arg9[%rem3A_695, %dma_wait3A, %dma_wait3A_696] : memref<14x32x128xf32, #tpu.memory_space<vmem>> -> memref<1x32x128xf32, #tpu.memory_space<vmem>>
      %dma_wait3A_698 = tpu.memref_squeeze %dma_wait3A_697 : memref<1x32x128xf32, #tpu.memory_space<vmem>> -> memref<32x128xf32, #tpu.memory_space<vmem>>
      %dma_wait3A_699 = arith.constant 0 : i32
      %dma_wait3A_700 = arith.constant 0 : i32
      %dma_wait3A_701 = tpu.memref_slice %arg4[%dma_wait3A_699, %dma_wait3A_700] : memref<32x1000000xf32, #tpu.memory_space<hbm>> -> memref<32x128xf32, #tpu.memory_space<hbm>>
      %dma_wait3A_702 = tpu.memref_slice %arg12[%rem3A_695] : memref<14x!tpu.dma_semaphore, #tpu.memory_space<semaphore_mem>> -> memref<1x!tpu.dma_semaphore, #tpu.memory_space<semaphore_mem>>
      %dma_wait3A_703 = tpu.memref_squeeze %dma_wait3A_702 : memref<1x!tpu.dma_semaphore, #tpu.memory_space<semaphore_mem>> -> memref<!tpu.dma_semaphore, #tpu.memory_space<semaphore_mem>>
      %dma_wait3A_704 = arith.constant 0 : i32
      %dma_wait3A_705 = arith.constant 0 : i32
      %dma_wait3A_706 = tpu.memref_slice %arg9[%rem3A_695, %dma_wait3A_704, %dma_wait3A_705] : memref<14x32x128xf32, #tpu.memory_space<vmem>> -> memref<1x32x128xf32, #tpu.memory_space<vmem>>
      %dma_wait3A_707 = tpu.memref_squeeze %dma_wait3A_706 : memref<1x32x128xf32, #tpu.memory_space<vmem>> -> memref<32x128xf32, #tpu.memory_space<vmem>>
      %dma_wait3A_708 = arith.constant 0 : i32
      %dma_wait3A_709 = arith.constant 0 : i32
      %dma_wait3A_710 = tpu.memref_slice %arg4[%dma_wait3A_708, %dma_wait3A_709] : memref<32x1000000xf32, #tpu.memory_space<hbm>> -> memref<32x128xf32, #tpu.memory_space<hbm>>
      tpu.wait_dma2 semaphore(%dma_wait3A_703 : memref<!tpu.dma_semaphore, #tpu.memory_space<semaphore_mem>>) src(%dma_wait3A_710 : memref<32x128xf32, #tpu.memory_space<hbm>>) dst(%dma_wait3A_707 : memref<32x128xf32, #tpu.memory_space<vmem>>)
      %dma_wait3A_711 = arith.constant 0 : i32
      %dma_wait3A_712 = arith.constant 0 : i32
      %dma_wait3A_713 = tpu.memref_slice %arg10[%rem3A_695, %dma_wait3A_711, %dma_wait3A_712] : memref<14x32x128xf32, #tpu.memory_space<vmem>> -> memref<1x32x128xf32, #tpu.memory_space<vmem>>
      %dma_wait3A_714 = tpu.memref_squeeze %dma_wait3A_713 : memref<1x32x128xf32, #tpu.memory_space<vmem>> -> memref<32x128xf32, #tpu.memory_space<vmem>>
      %dma_wait3A_715 = arith.constant 0 : i32
      %dma_wait3A_716 = arith.constant 0 : i32
      %dma_wait3A_717 = tpu.memref_slice %arg5[%dma_wait3A_715, %dma_wait3A_716] : memref<32x1000000xf32, #tpu.memory_space<hbm>> -> memref<32x128xf32, #tpu.memory_space<hbm>>
      %dma_wait3A_718 = tpu.memref_slice %arg12[%rem3A_695] : memref<14x!tpu.dma_semaphore, #tpu.memory_space<semaphore_mem>> -> memref<1x!tpu.dma_semaphore, #tpu.memory_space<semaphore_mem>>
      %dma_wait3A_719 = tpu.memref_squeeze %dma_wait3A_718 : memref<1x!tpu.dma_semaphore, #tpu.memory_space<semaphore_mem>> -> memref<!tpu.dma_semaphore, #tpu.memory_space<semaphore_mem>>
      %dma_wait3A_720 = arith.constant 0 : i32
      %dma_wait3A_721 = arith.constant 0 : i32
      %dma_wait3A_722 = tpu.memref_slice %arg10[%rem3A_695, %dma_wait3A_720, %dma_wait3A_721] : memref<14x32x128xf32, #tpu.memory_space<vmem>> -> memref<1x32x128xf32, #tpu.memory_space<vmem>>
      %dma_wait3A_723 = tpu.memref_squeeze %dma_wait3A_722 : memref<1x32x128xf32, #tpu.memory_space<vmem>> -> memref<32x128xf32, #tpu.memory_space<vmem>>
      %dma_wait3A_724 = arith.constant 0 : i32
      %dma_wait3A_725 = arith.constant 0 : i32
      %dma_wait3A_726 = tpu.memref_slice %arg5[%dma_wait3A_724, %dma_wait3A_725] : memref<32x1000000xf32, #tpu.memory_space<hbm>> -> memref<32x128xf32, #tpu.memory_space<hbm>>
      tpu.wait_dma2 semaphore(%dma_wait3A_719 : memref<!tpu.dma_semaphore, #tpu.memory_space<semaphore_mem>>) src(%dma_wait3A_726 : memref<32x128xf32, #tpu.memory_space<hbm>>) dst(%dma_wait3A_723 : memref<32x128xf32, #tpu.memory_space<vmem>>)
      %get3A_727 = arith.index_cast %scan3A_693 : i32 to index
      %get3A_728 = tpu.vector_load %arg7[%get3A_727] {strides = array<i32>} : memref<528xi32, #tpu.memory_space<vmem>>, vector<16xi32>,
      %slice3A_729 = vector.extract_strided_slice %get3A_728 {offsets = [0], sizes = [1], strides = [1]} : vector<16xi32> to vector<1xi32>
      %squeeze3A_730 = vector.extract %slice3A_729[0] : i32 from vector<1xi32>
      %and3A = arith.constant 127 : i32
      %and3A_731 = arith.andi %squeeze3A_730, %and3A : i32
      %broadcast_in_dim3A_732 = vector.broadcast %and3A_731 : i32 to vector<16xi32>
      %get3A_733 = arith.index_cast %scan3A_693 : i32 to index
      %get3A_734 = tpu.vector_load %arg8[%get3A_733] {strides = array<i32>} : memref<528xi32, #tpu.memory_space<vmem>>, vector<16xi32>,
      %slice3A_735 = vector.extract_strided_slice %get3A_734 {offsets = [0], sizes = [1], strides = [1]} : vector<16xi32> to vector<1xi32>
      %squeeze3A_736 = vector.extract %slice3A_735[0] : i32 from vector<1xi32>
      %and3A_737 = arith.constant 127 : i32
      %and3A_738 = arith.andi %squeeze3A_736, %and3A_737 : i32
      %broadcast_in_dim3A_739 = vector.broadcast %and3A_738 : i32 to vector<16xi32>
      %broadcast_in_dim3A_740 = vector.broadcast %rem3A_695 : i32 to vector<16xi32>
      %gather3A = tpu.vector_load_idx %arg9[%broadcast_in_dim3A_740, %iota3A, %broadcast_in_dim3A_732] : memref<14x32x128xf32, #tpu.memory_space<vmem>>[vector<16xi32>, vector<16xi32>, vector<16xi32>], vector<16xf32>,
      %add3A_741 = arith.constant 16 : i32
      %add3A_742 = vector.broadcast %add3A_741 : i32 to vector<16xi32>
      %add3A_743 = arith.addi %iota3A, %add3A_742 : vector<16xi32>
      %gather3A_744 = tpu.vector_load_idx %arg9[%broadcast_in_dim3A_740, %add3A_743, %broadcast_in_dim3A_732] : memref<14x32x128xf32, #tpu.memory_space<vmem>>[vector<16xi32>, vector<16xi32>, vector<16xi32>], vector<16xf32>,
      %gather3A_745 = tpu.vector_load_idx %arg10[%broadcast_in_dim3A_740, %iota3A, %broadcast_in_dim3A_739] : memref<14x32x128xf32, #tpu.memory_space<vmem>>[vector<16xi32>, vector<16xi32>, vector<16xi32>], vector<16xf32>,
      %add3A_746 = arith.constant 16 : i32
      %add3A_747 = vector.broadcast %add3A_746 : i32 to vector<16xi32>
      %add3A_748 = arith.addi %iota3A, %add3A_747 : vector<16xi32>
      %gather3A_749 = tpu.vector_load_idx %arg10[%broadcast_in_dim3A_740, %add3A_748, %broadcast_in_dim3A_739] : memref<14x32x128xf32, #tpu.memory_space<vmem>>[vector<16xi32>, vector<16xi32>, vector<16xi32>], vector<16xf32>,
      %mul3A_750 = arith.mulf %gather3A, %gather3A_745 : vector<16xf32>
      %mul3A_751 = arith.mulf %gather3A_744, %gather3A_749 : vector<16xf32>
      %add3A_752 = arith.addf %mul3A_750, %mul3A_751 : vector<16xf32>
      %broadcast_in_dim3A_753 = vector.shape_cast %xor3A_4 : vector<16xi32> to vector<16x1xi32>
      %gather3A_754 = vector.shape_cast %broadcast_in_dim3A_753 : vector<16x1xi32> to vector<16xi32>
      %gather3A_755 = tpu.dynamic_gather %add3A_752[%gather3A_754] in [0] : vector<16xf32>, vector<16xi32> -> vector<16xf32>
      %add3A_756 = arith.addf %add3A_752, %gather3A_755 : vector<16xf32>
      %broadcast_in_dim3A_757 = vector.shape_cast %xor3A_7 : vector<16xi32> to vector<16x1xi32>
      %gather3A_758 = vector.shape_cast %broadcast_in_dim3A_757 : vector<16x1xi32> to vector<16xi32>
      %gather3A_759 = tpu.dynamic_gather %add3A_756[%gather3A_758] in [0] : vector<16xf32>, vector<16xi32> -> vector<16xf32>
      %add3A_760 = arith.addf %add3A_756, %gather3A_759 : vector<16xf32>
      %broadcast_in_dim3A_761 = vector.shape_cast %xor3A_10 : vector<16xi32> to vector<16x1xi32>
      %gather3A_762 = vector.shape_cast %broadcast_in_dim3A_761 : vector<16x1xi32> to vector<16xi32>
      %gather3A_763 = tpu.dynamic_gather %add3A_760[%gather3A_762] in [0] : vector<16xf32>, vector<16xi32> -> vector<16xf32>
      %add3A_764 = arith.addf %add3A_760, %gather3A_763 : vector<16xf32>
      %broadcast_in_dim3A_765 = vector.shape_cast %xor3A_13 : vector<16xi32> to vector<16x1xi32>
      %gather3A_766 = vector.shape_cast %broadcast_in_dim3A_765 : vector<16x1xi32> to vector<16xi32>
      %gather3A_767 = tpu.dynamic_gather %add3A_764[%gather3A_766] in [0] : vector<16xf32>, vector<16xi32> -> vector<16xf32>
      %add3A_768 = arith.addf %add3A_764, %gather3A_767 : vector<16xf32>
      %and3A_769 = arith.constant 15 : i32
      %and3A_770 = arith.andi %scan3A_693, %and3A_769 : i32
      %eq3A = vector.broadcast %and3A_770 : i32 to vector<16xi32>
      %eq3A_771 = arith.cmpi eq, %iota3A, %eq3A : vector<16xi32>
      %select_n3A = arith.select %eq3A_771, %add3A_768, %scan3A_694 : vector<16xi1>, vector<16xf32>
      %and3A_772 = arith.constant 15 : i32
      %and3A_773 = arith.andi %scan3A_693, %and3A_772 : i32
      %eq3A_774 = arith.constant 15 : i32
      %eq3A_775 = arith.cmpi eq, %and3A_773, %eq3A_774 : i32
      %convert_element_type3A = arith.extui %eq3A_775 : i1 to i32
      %cond3A = arith.constant 0 : i32
      %cond3A_776 = arith.cmpi ne, %convert_element_type3A, %cond3A : i32
      scf.if %cond3A_776 {
        %and3A_777 = arith.constant -16 : i32
        %and3A_778 = arith.andi %scan3A_693, %and3A_777 : i32
        %swap3A = arith.index_cast %and3A_778 : i32 to index
        %swap3A_779 = tpu.vector_load %arg11[%swap3A] {strides = array<i32>} : memref<512xf32, #tpu.memory_space<vmem>>, vector<16xf32>,
        tpu.vector_store %arg11[%swap3A], %select_n3A {strides = array<i32>} : memref<512xf32, #tpu.memory_space<vmem>>, vector<16xf32>,
      } else {
      }
      scf.yield %select_n3A : vector<16xf32>
    }
    %scan3A_692 = arith.constant 14 : i32
    "tpu.region"() ({
      %run_scoped3A = tpu.sem_alloc : memref<!tpu.dma_semaphore, #tpu.memory_space<semaphore_mem>>
      %dma_start3A_693 = tpu.memref_slice %arg6[%mul3A_2] : memref<16384xf32, #tpu.memory_space<hbm>> -> memref<512xf32, #tpu.memory_space<hbm>>
      %dma_start3A_694 = tpu.memref_slice %arg6[%mul3A_2] : memref<16384xf32, #tpu.memory_space<hbm>> -> memref<512xf32, #tpu.memory_space<hbm>>
      tpu.enqueue_dma source(%arg11 : memref<512xf32, #tpu.memory_space<vmem>>) target(%dma_start3A_694 : memref<512xf32, #tpu.memory_space<hbm>>) target_semaphore(%run_scoped3A : memref<!tpu.dma_semaphore, #tpu.memory_space<semaphore_mem>>)
      %dma_wait3A = tpu.memref_slice %arg6[%mul3A_2] : memref<16384xf32, #tpu.memory_space<hbm>> -> memref<512xf32, #tpu.memory_space<hbm>>
      %dma_wait3A_695 = tpu.memref_slice %arg6[%mul3A_2] : memref<16384xf32, #tpu.memory_space<hbm>> -> memref<512xf32, #tpu.memory_space<hbm>>
      tpu.wait_dma2 semaphore(%run_scoped3A : memref<!tpu.dma_semaphore, #tpu.memory_space<semaphore_mem>>) src(%arg11 : memref<512xf32, #tpu.memory_space<vmem>>) dst(%dma_wait3A_695 : memref<512xf32, #tpu.memory_space<hbm>>)
      tpu.yield
    }) : () -> ()
    return
  }
}

</mosaic_0001>

<sc_bundles>
// kernel: kernel.3.cloned.1.call-start
scs
__scs_entry_jumppad:
0x0: {  	(pc) =	sbr.rel $0x88, $3  }
0x1: {  	(tag) =	ssettag $0x0;
	lr =	simm.s32 $0x1  }
0x2: {  	[smem:$0x3F9D] =	sst lr;
	_ =	strace $0xD0000000  }
0x3: {  	_ = 	snop  }
0x4: {  	_ = 	snop  }
0x5: {  	_ = 	snop  }
0x6: {  	_ = 	snop  }
0x7: {  	_ = 	snop  }
__scs_overlays_trampoline_lowered:
0x8: {  	[smem:$0x3FAC] =	sst s0  }
0x9: {  	[smem:$0x3FAD] =	sst s1  }
0xa: {  	[smem:$0x3FAE] =	sst s2  }
0xb: {  	[smem:$0x3FAF] =	sst s3  }
0xc: {  	[smem:$0x3FB0] =	sst s4  }
0xd: {  	[smem:$0x3FB1] =	sst s5  }
0xe: {  	[smem:$0x3FB2] =	sst s6  }
0xf: {  	[smem:$0x3FB3] =	sst s7  }
0x10: {  	[smem:$0x3FB4] =	sst s8  }
0x11: {  	[smem:$0x3FB5] =	sst s9;
	s0 =	simm.s32 @!p0 $0x0  }
0x12: {  	s1 =	sld [smem:$0x3F9B];
	s0 =	simm.s32 @p0 $0x1  }
0x13: {  	[smem:$0x3FB6] =	sst s0;
	s0 =	simm.s32 @!p1 $0x0  }
0x14: {  	s2 =	sld [smem:$0x3F9A];
	s0 =	simm.s32 @p1 $0x1  }
0x15: {  	[smem:$0x3FB7] =	sst s0;
	s0 =	simm.s32 @!p2 $0x0  }
0x16: {  	s3 =	sld [smem:$0x3FDB];
	s0 =	simm.s32 @p2 $0x1  }
0x17: {  	s4 =	simm.s32 $0x1BF5;
	[smem:$0x3FB9] =	sst s0  }
0x18: {  	s0 =	sld [smem:$0x3F9C];
	_ =	swait.ge [sflag:s4], $0x0  }
0x19: {  	s7 =	sld [smem:$0x3F9D]  }
0x1a: {  	s8 =	sadd.s32 $0xFFFFE003, lr  }
0x1b: {  	s9 =	sadd.s32 $0xFFFFFEF7, lr;
	s5 =	simm.s32 $0xFFFFFFFF;
	p2 =	slt.u32 s8, $0xFFFFF086  }
0x1c: {  	p1 =	slt.u32 s9, $0xF7A;
	s5 =	simm.s32 @!p2 $0x0  }
0x1d: {  	s5 =	simm.s32 @p1 $0x1;
	p0 =	seq.s32 s7, s2  }
0x1e: {  	s7 =	smul.u32 @!p0 $0xF7A, s2;
	p2 =	seq.s32 @!p0 s5, $0x0  }
0x1f: {  	s9 =	smul.u32 $0xF7A, s1;
	s8 =	simm.s32 @!p0 $0x1BF5;
	p2 =	por !p2, p0  }
0x20: {  	[sflag:s8] =	ssyncset.s32 @!p0 $0xFFFFF086;
	s6 =	sadd.s32 @!p0 s3, s7;
	s7 =	simm.s32 @!p0 $0x108  }
0x21: {  	s3 =	sadd.s32 s3, s9;
	s6 =	sadd.s32 @!p0 $0x88, s6;
	s7 =	simm.s32 @p2 $0x1082  }
0x22: {  	[simem:s7], [sflag:s8] =	dma.local @!p0 [hbm:s6], $0xF7A  }
0x23: {  	s9 =	sor.u32 $0xD0000000, s2;
	s6 =	simm.s32 $0x108;
	_ =	swait.ge @!p0 [sflag:s8], $0x0  }
0x24: {  	s3 =	sadd.s32 $0x88, s3;
	s6 =	simm.s32 @!p1 $0x1082;
	[sflag:s4] =	ssyncset.s32 $0xFFFFF086  }
0x25: {  	[simem:s6], [sflag:s4] =	dma.local [hbm:s3], $0xF7A  }
0x26: {  	[smem:$0x3F9D] =	sst s1;
	(tag) =	ssettag s2;
	_ =	strace s9  }
0x27: {  	s1 =	sld [smem:$0x3FAD]  }
0x28: {  	s2 =	sld [smem:$0x3FAE]  }
0x29: {  	s4 =	sld [smem:$0x3FB0]  }
0x2a: {  	p0 =	seq.s32 s5, $0x0;
	s5 =	sld [smem:$0x3FB1]  }
0x2b: {  	s6 =	sld [smem:$0x3FB2]  }
0x2c: {  	s7 =	sld [smem:$0x3FB3]  }
0x2d: {  	s3 =	simm.s32 $0x108;
	s8 =	sld [smem:$0x3FB4]  }
0x2e: {  	s3 =	simm.s32 @!p0 $0x1082;
	s9 =	sld [smem:$0x3FB5]  }
0x2f: {  	lr =	sadd.s32 s0, s3;
	s0 =	sld [smem:$0x3FAC]  }
0x30: {  	s3 =	sld [smem:$0x3FAF]  }
0x31: {  	[smem:$0x3FB8] =	sst s10  }
0x32: {  	s10 =	sld [smem:$0x3FB6];
	_ =	sdelay $0x3  }
0x33: {  	p0 =	seq.s32 s10, $0x1;
	s10 =	sld [smem:$0x3FB8];
	_ =	sdelay $0x3  }
0x34: {  	[smem:$0x3FB8] =	sst s10  }
0x35: {  	s10 =	sld [smem:$0x3FB7];
	_ =	sdelay $0x3  }
0x36: {  	p1 =	seq.s32 s10, $0x1;
	s10 =	sld [smem:$0x3FB8];
	_ =	sdelay $0x3  }
0x37: {  	[smem:$0x3FB8] =	sst s10  }
0x38: {  	s10 =	sld [smem:$0x3FB9]  }
0x39: {  	_ = 	snop;
	(pc) =	sbr.ind lr, $3  }
0x3a: {  	_ = 	snop  }
0x3b: {  	_ = 	snop  }
0x3c: {  	p2 =	seq.s32 s10, $0x1;
	s10 =	sld [smem:$0x3FB8]  }
0x3d: {  	_ =	shalt  }
0x3e: {  	_ =	shalt  }
0x3f: {  	_ =	shalt  }
0x40: {  	_ =	shalt  }
0x41: {  	_ =	shalt  }
0x42: {  	_ =	shalt  }
0x43: {  	_ =	shalt  }
0x44: {  	_ =	shalt  }
0x45: {  	_ =	shalt  }
0x46: {  	_ =	shalt  }
0x47: {  	_ =	shalt  }
0x48: {  	_ =	shalt  }
0x49: {  	_ =	shalt  }
0x4a: {  	_ =	shalt  }
0x4b: {  	_ =	shalt  }
0x4c: {  	_ =	shalt  }
0x4d: {  	_ =	shalt  }
0x4e: {  	_ =	shalt  }
0x4f: {  	_ =	shalt  }
0x50: {  	_ =	shalt  }
0x51: {  	_ =	shalt  }
0x52: {  	_ =	shalt  }
0x53: {  	_ =	shalt  }
0x54: {  	_ =	shalt  }
0x55: {  	_ =	shalt  }
0x56: {  	_ =	shalt  }
0x57: {  	_ =	shalt  }
0x58: {  	_ =	shalt  }
0x59: {  	_ =	shalt  }
0x5a: {  	_ =	shalt  }
0x5b: {  	_ =	shalt  }
0x5c: {  	_ =	shalt  }
0x5d: {  	_ =	shalt  }
0x5e: {  	_ =	shalt  }
0x5f: {  	_ =	shalt  }
0x60: {  	_ =	shalt  }
0x61: {  	_ =	shalt  }
0x62: {  	_ =	shalt  }
0x63: {  	_ =	shalt  }
0x64: {  	_ =	shalt  }
0x65: {  	_ =	shalt  }
0x66: {  	_ =	shalt  }
0x67: {  	_ =	shalt  }
0x68: {  	_ =	shalt  }
0x69: {  	_ =	shalt  }
0x6a: {  	_ =	shalt  }
0x6b: {  	_ =	shalt  }
0x6c: {  	_ =	shalt  }
0x6d: {  	_ =	shalt  }
0x6e: {  	_ =	shalt  }
0x6f: {  	_ =	shalt  }
0x70: {  	_ =	shalt  }
0x71: {  	_ =	shalt  }
0x72: {  	_ =	shalt  }
0x73: {  	_ =	shalt  }
0x74: {  	_ =	shalt  }
0x75: {  	_ =	shalt  }
0x76: {  	_ =	shalt  }
0x77: {  	_ =	shalt  }
0x78: {  	_ =	shalt  }
0x79: {  	_ =	shalt  }
0x7a: {  	_ =	shalt  }
0x7b: {  	_ =	shalt  }
0x7c: {  	_ =	shalt  }
0x7d: {  	_ =	shalt  }
0x7e: {  	_ =	shalt  }
0x7f: {  	_ =	shalt  }
0x80: {  	_ =	shalt  }
0x81: {  	_ =	shalt  }
0x82: {  	_ =	shalt  }
0x83: {  	_ =	shalt  }
0x84: {  	_ =	shalt  }
0x85: {  	_ =	shalt  }
0x86: {  	_ =	shalt  }
0x87: {  	_ =	shalt  }
.Lfunc_end0:
.L_simem_size_0:
called_computation_lowered:
.L_overlay_start_0:
0x88: {  	s2 =	sld [smem:$0x3FD9]  }
0x89: {  	s3 =	sld [smem:$0x3FFE];
	_ =	sdelay $0x1  }
0x8a: {  	s1 =	srdreg.scid  }
0x8b: {  	s0 =	sand.u32 $0x1, s1  }
0x8c: {  	s18 =	sshll.u32 s0, $0xA;
	s2 =	sadd.s32 s3, s2  }
0x8d: {  	s2 =	sadd.s32 s2, s18  }
0x8e: {  	[smem:$0x3FC4] =	sst s2  }
0x8f: {  	_ = 	snop  }
0x90: {  	s2 =	sld [smem:$0x3FC9]  }
0x91: {  	s19 =	sld [smem:$0x3FC8]  }
0x92: {  	s4 =	sld [smem:$0x3FC7]  }
0x93: {  	s5 =	sld [smem:$0x3FC6]  }
0x94: {  	s6 =	sld [smem:$0x3FD0];
	(tm) =	ssettm $0x1  }
0x95: {  	s7 =	sld [smem:$0x3FFB];
	_ =	sdelay $0x3  }
0x96: {  	_ =	strace s7  }
0x97: {  	s7 =	sld [smem:$0x3FFC];
	_ =	sdelay $0x3  }
0x98: {  	_ =	strace s7  }
0x99: {  	s7 =	sld [smem:$0x3FFD];
	_ =	sdelay $0x3  }
0x9a: {  	_ =	strace s7  }
0x9b: {  	_ =	strace $0x8FFFFFFF  }
0x9c: {  	s20 =	sld [smem:$0x3FDB];
	_ =	sdelay $0x1  }
0x9d: {  	s8 =	simm.s32 $_scs_section_size  }
0x9e: {  	s9 =	simm.s32 $_size__tile_overlayer_lowered;
	s10 =	simm.s32 $_tile_overlayer_lowered  }
0x9f: {  	s23 =	simm.s32 $0x1BFF;
	s22 =	sshll.u32 s10, $0x1;
	s7 =	sadd.s32 s8, s20  }
0xa0: {  	s11 =	simm.s32 $0x0;
	s21 =	sshll.u32 s9, $0x1;
	s9 =	sadd.s32 s22, s7  }
0xa1: {  	[timem:s11], [sflag:s23] =	dma.local [hbm:s9], s21  }
0xa2: {  	_ =	swait.ge [sflag:s23], s21  }
0xa3: {  	s8 =	ssub.s32 $0x0, s21;
	[sflag:s23] =	ssyncset.done $0x0  }
0xa4: {  	[sflag:s23] =	ssyncadd.s32 s8;
	_ =	sdelay $0x1  }
0xa5: {  	s24 =	simm.s32 $0x1B8B  }
0xa6: {  	_ =	swait.ge [sflag:s24], $0x1  }
0xa7: {  	[sflag:s24] =	ssyncset.done $0x0  }
0xa8: {  	s25 =	simm.s32 $0x1B8E;
	[sflag:s24] =	ssyncadd.s32 $0xFFFFFFFF  }
0xa9: {  	s26 =	simm.s32 $execute0_lowered;
	[smem:$0x3FD2] =	sst s25  }
0xaa: {  	s8 =	sshll.u32 s26, $0x1;
	_ =	strace $0x80000046;
	[dreg:$0x1] =	wrdreg $0xFFFFFFFF  }
0xab: {  	s28 =	simm.s32 $_size_execute0_lowered;
	s7 =	sadd.s32 s7, s8;
	[dreg:$0x0] =	wrdreg $0x0  }
0xac: {  	s8 =	sshll.u32 s28, $0x1;
	[dreg:$0x2] =	wrdreg s7  }
0xad: {  	[dreg:$0x3] =	wrdreg s8  }
0xae: {  	[dreg:$0x4] =	wrdreg $0xC0  }
0xaf: {  	_ =	task [dreg:s11], $0x5FFFF  }
0xb0: {  	[dreg:$0x1] =	wrdreg $0xFFFFFFFF  }
0xb1: {  	[dreg:$0x0] =	wrdreg $0x60  }
0xb2: {  	[dreg:$0x2] =	wrdreg s2  }
0xb3: {  	[dreg:$0x3] =	wrdreg s19  }
0xb4: {  	[dreg:$0x4] =	wrdreg s4  }
0xb5: {  	[dreg:$0x5] =	wrdreg s5  }
0xb6: {  	[dreg:$0x6] =	wrdreg s6  }
0xb7: {  	[dreg:$0x7] =	wrdreg $0x9  }
0xb8: {  	_ =	task.clear_ibuf [dreg:s11], $0x8FFFF;
	_ =	strace $0x90000046  }
0xb9: {  	s29 =	simm.s32 $0x9;
	_ =	strace $0x80000048  }
0xba: {  	_ =	swait.ge [sflag:s29], $0x1  }
0xbb: {  	[sflag:s29] =	ssyncadd.s32 $0xFFFFFFFF  }
0xbc: {  	_ =	strace $0x90000048  }
0xbd: {  	_ =	sfence  }
0xbe: {  	s30 =	sld [smem:$0x0];
	_ =	sdelay $0x2  }
0xbf: {  	s31 =	sshll.u32 s1, $0xD;
	s1 =	sshrl.u32 s1, $0x2  }
0xc0: {  	s3 =	sand.u32 $0x4000, s31;
	s1 =	sadd.s32 s1, s30  }
0xc1: {  	s0 =	sor.u32 s3, s0;
	s1 =	sshll.u32 s1, $0x11  }
0xc2: {  	s0 =	sor.u32 s1, s0  }
0xc3: {  	s0 =	sadd.s32 $0x8F2B, s0  }
0xc4: {  	[sflag:s0] =	ssyncadd.remote.s32 $0x1  }
0xc5: {  	_ =	sfence.sel $0xFFFF  }
0xc6: {  	[dreg:$0x0] =	wrdreg $0xFFFFFFFF;
	(pc) =	sbr.abs _section_cstart, $3  }
0xc7: {  	[dreg:$0x1] =	wrdreg $0xFFFFFFFF  }
0xc8: {  	_ =	task.clear_ibuf [dreg:s11], $0x2FFFF;
	_ =	strace $0x9FFFFFFF  }
0xc9: {  	(tm) =	ssettm $0x7FFFFFFF  }
tec
execute0_lowered:
.L_overlay_start_1:
0x0: {  	(tag) =	ssettag $0x1  }
0x1: {  	s0 =	rddreg [dreg:$0x0]  }
0x2: {  	s3 =	rddreg [dreg:$0x1]  }
0x3: {  	s1 =	rddreg [dreg:$0x2];
	v0 =	vimm.s32 $0xFEDCBA98  }
0x4: {  	s2 =	rddreg [dreg:$0x3];
	v1 =	vimm.s32 $0x76543210;
	s10 =	simm.s32 $0x7A1400;
	v4 =	vimm.s32 $0xBA98FEDC  }
0x5: {  	s8 =	rddreg [dreg:$0x4];
	s4 =	simm.s32 $0x0;
	v5 =	vimm.s32 $0x32107654;
	v6 =	vimm.s32 $0xDCFE98BA;
	v7 =	vimm.s32 $0x54761032  }
0x6: {  	s5 =	srdreg.scid;
	s7 =	stileid.u32;
	s11 =	simm.s32 $0x500;
	v8 =	vimm.s32 $0xEFCDAB89;
	v9 =	vimm.s32 $0x67452301;
	v2 =	vunpack.c.l.s4.s8 v0  }
0x7: {  	s12 =	simm.s32 $0xE500;
	s15 =	simm.s32 $0x19500;
	s16 =	simm.s32 $0xC500;
	v3 =	vunpack.c.l.s4.s8 v1;
	v0 =	vlaneseq.u32;
	v4 =	vunpack.c.l.s4.s8 v4  }
0x8: {  	s17 =	simm.s32 $0x1A500;
	s18 =	simm.s32 $0xD500;
	s19 =	simm.s32 $0x1B500;
	v5 =	vunpack.c.l.s4.s8 v5;
	v6 =	vunpack.c.l.s4.s8 v6;
	v7 =	vunpack.c.l.s4.s8 v7  }
0x9: {  	s20 =	simm.s32 $0x1C500;
	s21 =	simm.s32 $0x0;
	s5 =	sand.u32 $0x1, s5;
	v8 =	vunpack.c.l.s4.s8 v8;
	v9 =	vunpack.c.l.s4.s8 v9;
	v1 =	vmul.u32 $0x80, v0  }
0xa: {  	[smem:$0x7FF] =	sst s4;
	s7 =	sshll.u32 s7, $0x7;
	s6 =	ssub.s32 $0x2, s5;
	v2 =	vunpack.c.0.s8.s32 v2;
	v3 =	vunpack.c.0.s8.s32 v3;
	v4 =	vunpack.c.0.s8.s32 v4  }
0xb: {  	s5 =	sshll.u32 s5, $0x6;
	_ =	strace $0x80000047;
	s9 =	sshrl.u32 s6, $0x1;
	v5 =	vunpack.c.0.s8.s32 v5;
	v6 =	vunpack.c.0.s8.s32 v6;
	v7 =	vunpack.c.0.s8.s32 v7  }
0xc: {  	s13 =	sor.u32 s5, s7;
	s7 =	simm.s32 $0xF;
	v8 =	vunpack.c.0.s8.s32 v8;
	v9 =	vunpack.c.0.s8.s32 v9;
	s14 =	ssub.s32 s6, s9;
	v2 =	vand.u32 $0xF, v2  }
0xd: {  	s5 =	sadd.s32 s0, s13;
	s6 =	sadd.s32 s3, s13;
	s9 =	simm.s32 $0x400;
	v2 =	vcombine.low v2, v3;
	v3 =	vcombine.low v5, v4  }
0xe: {  	s22 =	sadd.s32 s8, s13;
	s25 =	smax.u32 s14, $0x1;
	s14 =	simm.s32 $0xB500;
	v4 =	vcombine.low v7, v6;
	v5 =	vor.u32 $0x800, v1;
	v6 =	vcombine.low v9, v8  }
.LBB2_1:
0xf: {  	[tilespmem:s4], [sflag:$0xF] =	stream.linear.gather [hbm4b:s5+s4], $0x200, $0x38;
	[tilespmem:$0x1C700] =	vst v63  }
0x10: {  	_ =	swait.ge [sflag:s7], $0x200  }
0x11: {  	[sflag:s7] =	ssyncset.done $0x0  }
0x12: {  	s0 =	simm.s32 $0x280;
	[sflag:s7] =	ssyncadd.s32 $0xFFFFFE00  }
0x13: {  	[tilespmem:s0], [sflag:$0xF] =	stream.linear.gather [hbm4b:s6+s4], $0x200, $0x38;
	[tilespmem:$0x1C700] =	vst v63  }
0x14: {  	_ =	swait.ge [sflag:s7], $0x200  }
0x15: {  	[sflag:s7] =	ssyncset.done $0x0  }
0x16: {  	[sflag:s7] =	ssyncadd.s32 $0xFFFFFE00  }
0x17: {  	v7 =	vld [tilespmem:$0x0];
	_ =	sdelay $0x1  }
0x18: {  	v8 =	vld [tilespmem:$0x280];
	_ =	sdelay $0x2  }
0x19: {  	(v2sf) =	vpush v7, $0x0;
	_ =	sdelay $0x1  }
0x1a: {  	(v2sf) =	vpush v8, $0x0;
	_ =	sdelay $0xc  }
0x1b: {  	s26 =	spop (v2sf)  }
0x1c: {  	s0 =	sand.u32 $0xFFFFF80, s26  }
0x1d: {  	s31 =	spop (v2sf);
	s0 =	sadd.s32 s1, s0  }
0x1e: {  	[tilespmem:s11], [sflag:$0x1] =	stream.strided.gather [hbm4b:s0+s9], $0x1000, s10, s9, $0x38;
	[tilespmem:$0x1C700] =	vst v63  }
0x1f: {  	s0 =	sand.u32 $0xFFFFF80, s31  }
0x20: {  	s0 =	sadd.s32 s2, s0  }
0x21: {  	[tilespmem:s12], [sflag:$0x1] =	stream.strided.gather [hbm4b:s0+s9], $0x1000, s10, s9, $0x38;
	[tilespmem:$0x1C700] =	vst v63  }
0x22: {  	v7 =	vld [tilespmem:$0x1];
	_ =	sdelay $0x1  }
0x23: {  	v8 =	vld [tilespmem:$0x281];
	_ =	sdelay $0x2  }
0x24: {  	(v2sf) =	vpush v7, $0x0;
	_ =	sdelay $0x1  }
0x25: {  	(v2sf) =	vpush v8, $0x0;
	_ =	sdelay $0xc  }
0x26: {  	s3 =	spop (v2sf)  }
0x27: {  	s0 =	sand.u32 $0xFFFFF80, s3  }
0x28: {  	s3 =	simm.s32 $0x1500;
	s8 =	spop (v2sf);
	s0 =	sadd.s32 s1, s0  }
0x29: {  	[tilespmem:s3], [sflag:$0x2] =	stream.strided.gather [hbm4b:s0+s9], $0x1000, s10, s9, $0x38;
	[tilespmem:$0x1C700] =	vst v63  }
0x2a: {  	s0 =	sand.u32 $0xFFFFF80, s8  }
0x2b: {  	s13 =	simm.s32 $0xF500;
	s0 =	sadd.s32 s2, s0  }
0x2c: {  	[tilespmem:s13], [sflag:$0x2] =	stream.strided.gather [hbm4b:s0+s9], $0x1000, s10, s9, $0x38;
	[tilespmem:$0x1C700] =	vst v63  }
0x2d: {  	v7 =	vld [tilespmem:$0x2];
	_ =	sdelay $0x1  }
0x2e: {  	v8 =	vld [tilespmem:$0x282];
	_ =	sdelay $0x2  }
0x2f: {  	(v2sf) =	vpush v7, $0x0;
	_ =	sdelay $0x1  }
0x30: {  	(v2sf) =	vpush v8, $0x0;
	_ =	sdelay $0xc  }
0x31: {  	s23 =	spop (v2sf)  }
0x32: {  	s0 =	sand.u32 $0xFFFFF80, s23  }
0x33: {  	s24 =	simm.s32 $0x2500;
	s26 =	spop (v2sf);
	s0 =	sadd.s32 s1, s0  }
0x34: {  	[tilespmem:s24], [sflag:$0x3] =	stream.strided.gather [hbm4b:s0+s9], $0x1000, s10, s9, $0x38;
	[tilespmem:$0x1C700] =	vst v63  }
0x35: {  	s0 =	sand.u32 $0xFFFFF80, s26  }
0x36: {  	s31 =	simm.s32 $0x10500;
	s0 =	sadd.s32 s2, s0  }
0x37: {  	[tilespmem:s31], [sflag:$0x3] =	stream.strided.gather [hbm4b:s0+s9], $0x1000, s10, s9, $0x38;
	[tilespmem:$0x1C700] =	vst v63  }
0x38: {  	v7 =	vld [tilespmem:$0x3];
	_ =	sdelay $0x1  }
0x39: {  	v8 =	vld [tilespmem:$0x283];
	_ =	sdelay $0x2  }
0x3a: {  	(v2sf) =	vpush v7, $0x0;
	_ =	sdelay $0x1  }
0x3b: {  	(v2sf) =	vpush v8, $0x0;
	_ =	sdelay $0xc  }
0x3c: {  	s8 =	spop (v2sf)  }
0x3d: {  	s0 =	sand.u32 $0xFFFFF80, s8  }
0x3e: {  	s13 =	simm.s32 $0x3500;
	s23 =	spop (v2sf);
	s0 =	sadd.s32 s1, s0  }
0x3f: {  	[tilespmem:s13], [sflag:$0x4] =	stream.strided.gather [hbm4b:s0+s9], $0x1000, s10, s9, $0x38;
	[tilespmem:$0x1C700] =	vst v63  }
0x40: {  	s0 =	sand.u32 $0xFFFFF80, s23  }
0x41: {  	s24 =	simm.s32 $0x11500;
	s0 =	sadd.s32 s2, s0  }
0x42: {  	[tilespmem:s24], [sflag:$0x4] =	stream.strided.gather [hbm4b:s0+s9], $0x1000, s10, s9, $0x38;
	[tilespmem:$0x1C700] =	vst v63  }
0x43: {  	v7 =	vld [tilespmem:$0x4];
	_ =	sdelay $0x1  }
0x44: {  	v8 =	vld [tilespmem:$0x284];
	_ =	sdelay $0x2  }
0x45: {  	(v2sf) =	vpush v7, $0x0;
	_ =	sdelay $0x1  }
0x46: {  	(v2sf) =	vpush v8, $0x0;
	_ =	sdelay $0xc  }
0x47: {  	s26 =	spop (v2sf)  }
0x48: {  	s0 =	sand.u32 $0xFFFFF80, s26  }
0x49: {  	s31 =	simm.s32 $0x4500;
	s8 =	spop (v2sf);
	s0 =	sadd.s32 s1, s0  }
0x4a: {  	[tilespmem:s31], [sflag:$0x5] =	stream.strided.gather [hbm4b:s0+s9], $0x1000, s10, s9, $0x38;
	[tilespmem:$0x1C700] =	vst v63  }
0x4b: {  	s0 =	sand.u32 $0xFFFFF80, s8  }
0x4c: {  	s13 =	simm.s32 $0x12500;
	s0 =	sadd.s32 s2, s0  }
0x4d: {  	[tilespmem:s13], [sflag:$0x5] =	stream.strided.gather [hbm4b:s0+s9], $0x1000, s10, s9, $0x38;
	[tilespmem:$0x1C700] =	vst v63  }
0x4e: {  	v7 =	vld [tilespmem:$0x5];
	_ =	sdelay $0x1  }
0x4f: {  	v8 =	vld [tilespmem:$0x285];
	_ =	sdelay $0x2  }
0x50: {  	(v2sf) =	vpush v7, $0x0;
	_ =	sdelay $0x1  }
0x51: {  	(v2sf) =	vpush v8, $0x0;
	_ =	sdelay $0xc  }
0x52: {  	s23 =	spop (v2sf)  }
0x53: {  	s0 =	sand.u32 $0xFFFFF80, s23  }
0x54: {  	s24 =	simm.s32 $0x5500;
	s26 =	spop (v2sf);
	s0 =	sadd.s32 s1, s0  }
0x55: {  	[tilespmem:s24], [sflag:$0x6] =	stream.strided.gather [hbm4b:s0+s9], $0x1000, s10, s9, $0x38;
	[tilespmem:$0x1C700] =	vst v63  }
0x56: {  	s0 =	sand.u32 $0xFFFFF80, s26  }
0x57: {  	s31 =	simm.s32 $0x13500;
	s0 =	sadd.s32 s2, s0  }
0x58: {  	[tilespmem:s31], [sflag:$0x6] =	stream.strided.gather [hbm4b:s0+s9], $0x1000, s10, s9, $0x38;
	[tilespmem:$0x1C700] =	vst v63  }
0x59: {  	v7 =	vld [tilespmem:$0x6];
	_ =	sdelay $0x1  }
0x5a: {  	v8 =	vld [tilespmem:$0x286];
	_ =	sdelay $0x2  }
0x5b: {  	(v2sf) =	vpush v7, $0x0;
	_ =	sdelay $0x1  }
0x5c: {  	(v2sf) =	vpush v8, $0x0;
	_ =	sdelay $0xc  }
0x5d: {  	s8 =	spop (v2sf)  }
0x5e: {  	s0 =	sand.u32 $0xFFFFF80, s8  }
0x5f: {  	s13 =	simm.s32 $0x6500;
	s23 =	spop (v2sf);
	s0 =	sadd.s32 s1, s0  }
0x60: {  	[tilespmem:s13], [sflag:$0x7] =	stream.strided.gather [hbm4b:s0+s9], $0x1000, s10, s9, $0x38;
	[tilespmem:$0x1C700] =	vst v63  }
0x61: {  	s0 =	sand.u32 $0xFFFFF80, s23  }
0x62: {  	s24 =	simm.s32 $0x14500;
	s0 =	sadd.s32 s2, s0  }
0x63: {  	[tilespmem:s24], [sflag:$0x7] =	stream.strided.gather [hbm4b:s0+s9], $0x1000, s10, s9, $0x38;
	[tilespmem:$0x1C700] =	vst v63  }
0x64: {  	v7 =	vld [tilespmem:$0x7];
	_ =	sdelay $0x1  }
0x65: {  	v8 =	vld [tilespmem:$0x287];
	_ =	sdelay $0x2  }
0x66: {  	(v2sf) =	vpush v7, $0x0;
	_ =	sdelay $0x1  }
0x67: {  	(v2sf) =	vpush v8, $0x0;
	_ =	sdelay $0xc  }
0x68: {  	s26 =	spop (v2sf)  }
0x69: {  	s0 =	sand.u32 $0xFFFFF80, s26  }
0x6a: {  	s31 =	simm.s32 $0x7500;
	s8 =	spop (v2sf);
	s0 =	sadd.s32 s1, s0  }
0x6b: {  	[tilespmem:s31], [sflag:$0x8] =	stream.strided.gather [hbm4b:s0+s9], $0x1000, s10, s9, $0x38;
	[tilespmem:$0x1C700] =	vst v63  }
0x6c: {  	s0 =	sand.u32 $0xFFFFF80, s8  }
0x6d: {  	s13 =	simm.s32 $0x15500;
	s0 =	sadd.s32 s2, s0  }
0x6e: {  	[tilespmem:s13], [sflag:$0x8] =	stream.strided.gather [hbm4b:s0+s9], $0x1000, s10, s9, $0x38;
	[tilespmem:$0x1C700] =	vst v63  }
0x6f: {  	v7 =	vld [tilespmem:$0x8];
	_ =	sdelay $0x1  }
0x70: {  	v8 =	vld [tilespmem:$0x288];
	_ =	sdelay $0x2  }
0x71: {  	(v2sf) =	vpush v7, $0x0;
	_ =	sdelay $0x1  }
0x72: {  	(v2sf) =	vpush v8, $0x0;
	_ =	sdelay $0xc  }
0x73: {  	s23 =	spop (v2sf)  }
0x74: {  	s0 =	sand.u32 $0xFFFFF80, s23  }
0x75: {  	s24 =	simm.s32 $0x8500;
	s26 =	spop (v2sf);
	s0 =	sadd.s32 s1, s0  }
0x76: {  	[tilespmem:s24], [sflag:$0x9] =	stream.strided.gather [hbm4b:s0+s9], $0x1000, s10, s9, $0x38;
	[tilespmem:$0x1C700] =	vst v63  }
0x77: {  	s0 =	sand.u32 $0xFFFFF80, s26  }
0x78: {  	s31 =	simm.s32 $0x16500;
	s0 =	sadd.s32 s2, s0  }
0x79: {  	[tilespmem:s31], [sflag:$0x9] =	stream.strided.gather [hbm4b:s0+s9], $0x1000, s10, s9, $0x38;
	[tilespmem:$0x1C700] =	vst v63  }
0x7a: {  	v7 =	vld [tilespmem:$0x9];
	_ =	sdelay $0x1  }
0x7b: {  	v8 =	vld [tilespmem:$0x289];
	_ =	sdelay $0x2  }
0x7c: {  	(v2sf) =	vpush v7, $0x0;
	_ =	sdelay $0x1  }
0x7d: {  	(v2sf) =	vpush v8, $0x0;
	_ =	sdelay $0xc  }
0x7e: {  	s8 =	spop (v2sf)  }
0x7f: {  	s0 =	sand.u32 $0xFFFFF80, s8  }
0x80: {  	s13 =	simm.s32 $0x9500;
	s23 =	spop (v2sf);
	s0 =	sadd.s32 s1, s0  }
0x81: {  	[tilespmem:s13], [sflag:$0xA] =	stream.strided.gather [hbm4b:s0+s9], $0x1000, s10, s9, $0x38;
	[tilespmem:$0x1C700] =	vst v63  }
0x82: {  	s0 =	sand.u32 $0xFFFFF80, s23  }
0x83: {  	s24 =	simm.s32 $0x17500;
	s0 =	sadd.s32 s2, s0  }
0x84: {  	[tilespmem:s24], [sflag:$0xA] =	stream.strided.gather [hbm4b:s0+s9], $0x1000, s10, s9, $0x38;
	[tilespmem:$0x1C700] =	vst v63  }
0x85: {  	v7 =	vld [tilespmem:$0xA];
	_ =	sdelay $0x1  }
0x86: {  	v8 =	vld [tilespmem:$0x28A];
	_ =	sdelay $0x2  }
0x87: {  	(v2sf) =	vpush v7, $0x0;
	_ =	sdelay $0x1  }
0x88: {  	(v2sf) =	vpush v8, $0x0;
	_ =	sdelay $0xc  }
0x89: {  	s26 =	spop (v2sf)  }
0x8a: {  	s0 =	sand.u32 $0xFFFFF80, s26  }
0x8b: {  	s31 =	simm.s32 $0xA500;
	s8 =	spop (v2sf);
	s0 =	sadd.s32 s1, s0  }
0x8c: {  	[tilespmem:s31], [sflag:$0xB] =	stream.strided.gather [hbm4b:s0+s9], $0x1000, s10, s9, $0x38;
	[tilespmem:$0x1C700] =	vst v63  }
0x8d: {  	s0 =	sand.u32 $0xFFFFF80, s8  }
0x8e: {  	s13 =	simm.s32 $0x18500;
	s0 =	sadd.s32 s2, s0  }
0x8f: {  	[tilespmem:s13], [sflag:$0xB] =	stream.strided.gather [hbm4b:s0+s9], $0x1000, s10, s9, $0x38;
	[tilespmem:$0x1C700] =	vst v63  }
0x90: {  	v7 =	vld [tilespmem:$0xB];
	_ =	sdelay $0x1  }
0x91: {  	v8 =	vld [tilespmem:$0x28B];
	_ =	sdelay $0x2  }
0x92: {  	(v2sf) =	vpush v7, $0x0;
	_ =	sdelay $0x1  }
0x93: {  	(v2sf) =	vpush v8, $0x0;
	_ =	sdelay $0xc  }
0x94: {  	s23 =	spop (v2sf)  }
0x95: {  	s0 =	sand.u32 $0xFFFFF80, s23  }
0x96: {  	s24 =	spop (v2sf);
	s0 =	sadd.s32 s1, s0  }
0x97: {  	[tilespmem:s14], [sflag:$0xC] =	stream.strided.gather [hbm4b:s0+s9], $0x1000, s10, s9, $0x38;
	[tilespmem:$0x1C700] =	vst v63  }
0x98: {  	s0 =	sand.u32 $0xFFFFF80, s24  }
0x99: {  	s0 =	sadd.s32 s2, s0  }
0x9a: {  	[tilespmem:s15], [sflag:$0xC] =	stream.strided.gather [hbm4b:s0+s9], $0x1000, s10, s9, $0x38;
	[tilespmem:$0x1C700] =	vst v63  }
0x9b: {  	v7 =	vld [tilespmem:$0xC];
	_ =	sdelay $0x1  }
0x9c: {  	v8 =	vld [tilespmem:$0x28C];
	_ =	sdelay $0x2  }
0x9d: {  	(v2sf) =	vpush v7, $0x0;
	_ =	sdelay $0x1  }
0x9e: {  	(v2sf) =	vpush v8, $0x0;
	_ =	sdelay $0xc  }
0x9f: {  	s26 =	spop (v2sf)  }
0xa0: {  	s0 =	sand.u32 $0xFFFFF80, s26  }
0xa1: {  	s31 =	spop (v2sf);
	s0 =	sadd.s32 s1, s0  }
0xa2: {  	[tilespmem:s16], [sflag:$0xD] =	stream.strided.gather [hbm4b:s0+s9], $0x1000, s10, s9, $0x38;
	[tilespmem:$0x1C700] =	vst v63  }
0xa3: {  	s0 =	sand.u32 $0xFFFFF80, s31  }
0xa4: {  	s0 =	sadd.s32 s2, s0  }
0xa5: {  	[tilespmem:s17], [sflag:$0xD] =	stream.strided.gather [hbm4b:s0+s9], $0x1000, s10, s9, $0x38;
	[tilespmem:$0x1C700] =	vst v63  }
0xa6: {  	v7 =	vld [tilespmem:$0xD];
	_ =	sdelay $0x4  }
0xa7: {  	(v2sf) =	vpush v7, $0x0  }
0xa8: {  	v7 =	vld [tilespmem:$0x28D];
	_ =	sdelay $0x4  }
0xa9: {  	(v2sf) =	vpush v7, $0x0;
	_ =	sdelay $0x8  }
0xaa: {  	s3 =	spop (v2sf)  }
0xab: {  	s0 =	sand.u32 $0xFFFFF80, s3  }
0xac: {  	s8 =	sand.u32 $0xFFFE, s4;
	s0 =	sadd.s32 s1, s0  }
0xad: {  	[tilespmem:s18], [sflag:$0xE] =	stream.strided.gather [hbm4b:s0+s9], $0x1000, s10, s9, $0x38;
	[tilespmem:$0x1C700] =	vst v63  }
0xae: {  	s0 =	sshrl.u32 s8, $0x1  }
0xaf: {  	s0 =	smul.u32 $0x4925, s0  }
0xb0: {  	s23 =	spop (v2sf)  }
0xb1: {  	s23 =	sand.u32 $0xFFFFF80, s23;
	s0 =	sshrl.u32 s0, $0x11  }
0xb2: {  	s23 =	sadd.s32 s2, s23;
	s0 =	smul.u32 $0xE, s0  }
0xb3: {  	[tilespmem:s19], [sflag:$0xE] =	stream.strided.gather [hbm4b:s23+s9], $0x1000, s10, s9, $0x38;
	[tilespmem:$0x1C700] =	vst v63  }
0xb4: {  	s0 =	ssub.s32 $0x0, s0  }
0xb5: {  	s0 =	sand.u32 $0xFFFF, s0  }
0xb6: {  	s23 =	sadd.s32 $0x1, s0  }
0xb7: {  	_ =	swait.ge [sflag:s23], $0x1000  }
0xb8: {  	[sflag:s23] =	ssyncset.done $0x0  }
0xb9: {  	[sflag:s23] =	ssyncadd.s32 $0xFFFFF000  }
0xba: {  	_ =	swait.ge [sflag:s23], $0x1000  }
0xbb: {  	[sflag:s23] =	ssyncset.done $0x0  }
0xbc: {  	s26 =	simm.s32 $0x28E;
	[sflag:s23] =	ssyncadd.s32 $0xFFFFF000  }
0xbd: {  	s28 =	simm.s32 $0xE;
	v7 =	vld [tilespmem:s26+$0xFFFFFFF2]  }
0xbe: {  	v8 =	vld [tilespmem:s28+$0xFFFFFFF2];
	_ =	sdelay $0x3  }
0xbf: {  	(v2sf) =	vpush v7, $0x0  }
0xc0: {  	(v2sf) =	vpush v8, $0x0;
	_ =	sdelay $0xd  }
0xc1: {  	s29 =	sshll.u32 s0, $0xC;
	s13 =	spop (v2sf)  }
0xc2: {  	v7 =	vor.u32 s29, v1;
	s0 =	sand.u32 $0x7F, s13;
	s24 =	spop (v2sf)  }
0xc3: {  	v8 =	vor.u32 s29, v5;
	s24 =	sand.u32 $0x7F, s24;
	v9 =	vor.u32 s0, v7  }
0xc4: {  	v10 =	vor.u32 s24, v8  }
0xc5: {  	v8 =	vor.u32 s0, v8  }
0xc6: {  	v7 =	vor.u32 s24, v7;
	_ =	sdelay $0x1  }
0xc7: {  	v9 =	vld.idx.msk [tilespmem:v9+s12+$0x0], $0xffff  }
0xc8: {  	v10 =	vld.idx.msk [tilespmem:v10+s11+$0x0], $0xffff  }
0xc9: {  	v8 =	vld.idx.msk [tilespmem:v8+s12+$0x0], $0xffff  }
0xca: {  	v7 =	vld.idx.msk [tilespmem:v7+s11+$0x0], $0xffff;
	_ =	sdelay $0x4  }
0xcb: {  	v8 =	vmul.f32 v8, v10;
	v7 =	vmul.f32 v9, v7;
	_ =	sdelay $0x1  }
0xcc: {  	v7 =	vadd.f32 v8, v7;
	_ =	sdelay $0x1  }
0xcd: {  	v8 =	vperm.xlane v7, v2;
	_ =	sdelay $0x1  }
0xce: {  	v7 =	vadd.f32 v7, v8;
	_ =	sdelay $0x1  }
0xcf: {  	v8 =	vperm.xlane v7, v3;
	_ =	sdelay $0x1  }
0xd0: {  	v7 =	vadd.f32 v7, v8;
	_ =	sdelay $0x1  }
0xd1: {  	v8 =	vperm.xlane v7, v4;
	_ =	sdelay $0x1  }
0xd2: {  	v7 =	vadd.f32 v7, v8;
	_ =	sdelay $0x1  }
0xd3: {  	v8 =	vperm.xlane v7, v6  }
0xd4: {  	s24 =	sand.u32 $0xF, s4  }
0xd5: {  	v7 =	vadd.f32 v7, v8;
	v8 =	vmov s24  }
0xd6: {  	v62 =	vimm.f32 $0.0e+00;
	p0 =	sne.s32 s24, $0xF;
	vm0 =	veq.s32 v8, v0  }
0xd7: {  	s0 =	sand.u32 @!p0 $0x1F0, s4;
	v7 =	vsel vm0, v7, v62  }
0xd8: {  	[tilespmem:s0+$0x1C500] =	vst @!p0 v7  }
0xd9: {  	v8 =	vld [tilespmem:s28+$0x0]  }
0xda: {  	v63 =	vld [tilespmem:s26+$0x0];
	_ =	sdelay $0x3  }
0xdb: {  	(v2sf) =	vpush v8, $0x0  }
0xdc: {  	(v2sf) =	vpush v63, $0x0;
	_ =	sdelay $0x5  }
0xdd: {  	s24 =	simm.s32 $0x1  }
0xde: {  	s31 =	sand.u32 $0xFFFE, s24  }
0xdf: {  	s0 =	sshrl.u32 s31, $0x1  }
0xe0: {  	s0 =	smul.u32 $0x4925, s0;
	_ =	sdelay $0x1  }
0xe1: {  	s30 =	simm.s32 $0x2;
	s0 =	sshrl.u32 s0, $0x11  }
0xe2: {  	s28 =	simm.s32 $0xF;
	s26 =	simm.s32 $0x28F;
	s0 =	smul.u32 $0xE, s0  }
.LBB2_2:
0xe3: {  	s3 =	sor.u32 $0x500, s29  }
0xe4: {  	s8 =	sadd.s32 $0xE500, s29;
	s29 =	spop (v2sf);
	s31 =	smov.u32 s30  }
0xe5: {  	s0 =	ssub.s32 s24, s0;
	s29 =	sand.u32 $0xFFFFF80, s29;
	s13 =	spop (v2sf)  }
0xe6: {  	s0 =	sand.u32 $0xFFFF, s0;
	s29 =	sadd.s32 s1, s29;
	s13 =	sand.u32 $0xFFFFF80, s13  }
0xe7: {  	[tilespmem:s3], [sflag:s23] =	stream.strided.gather [hbm4b:s29+s9], $0x1000, s10, s9, $0x38;
	[tilespmem:$0x1C700] =	vst v63  }
0xe8: {  	s3 =	sadd.s32 $0x1, s0;
	s29 =	sshll.u32 s0, $0xC;
	s0 =	sadd.s32 s2, s13  }
0xe9: {  	[tilespmem:s8], [sflag:s23] =	stream.strided.gather [hbm4b:s0+s9], $0x1000, s10, s9, $0x38;
	[tilespmem:$0x1C700] =	vst v63  }
0xea: {  	s30 =	sadd.s32 $0x1, s30;
	s23 =	smov.u32 s3;
	_ =	swait.ge [sflag:s3], $0x1000  }
0xeb: {  	p0 =	sne.s32 s30, $0x1F2;
	[sflag:s23] =	ssyncset.done $0x0  }
0xec: {  	[sflag:s23] =	ssyncadd.s32 $0xFFFFF000  }
0xed: {  	_ =	swait.ge [sflag:s23], $0x1000  }
0xee: {  	[sflag:s23] =	ssyncset.done $0x0  }
0xef: {  	[sflag:s23] =	ssyncadd.s32 $0xFFFFF000  }
0xf0: {  	v8 =	vld [tilespmem:s26+$0xFFFFFFF2]  }
0xf1: {  	v9 =	vld [tilespmem:s28+$0xFFFFFFF2];
	_ =	sdelay $0x3  }
0xf2: {  	(v2sf) =	vpush v8, $0x0  }
0xf3: {  	(v2sf) =	vpush v9, $0x0;
	_ =	sdelay $0xd  }
0xf4: {  	s0 =	spop (v2sf)  }
0xf5: {  	v8 =	vor.u32 s29, v1;
	v9 =	vor.u32 s29, v5;
	s0 =	sand.u32 $0x7F, s0;
	s3 =	spop (v2sf)  }
0xf6: {  	s3 =	sand.u32 $0x7F, s3;
	v10 =	vor.u32 s0, v8;
	v11 =	vor.u32 s0, v9  }
0xf7: {  	v8 =	vor.u32 s3, v8;
	v9 =	vor.u32 s3, v9;
	_ =	sdelay $0x3  }
0xf8: {  	v10 =	vld.idx.msk [tilespmem:v10+s12+$0x0], $0xffff  }
0xf9: {  	v9 =	vld.idx.msk [tilespmem:v9+s11+$0x0], $0xffff  }
0xfa: {  	v11 =	vld.idx.msk [tilespmem:v11+s12+$0x0], $0xffff  }
0xfb: {  	v8 =	vld.idx.msk [tilespmem:v8+s11+$0x0], $0xffff;
	_ =	sdelay $0x4  }
0xfc: {  	v9 =	vmul.f32 v11, v9  }
0xfd: {  	v8 =	vmul.f32 v10, v8;
	_ =	sdelay $0x1  }
0xfe: {  	v8 =	vadd.f32 v9, v8;
	_ =	sdelay $0x1  }
0xff: {  	v9 =	vperm.xlane v8, v2;
	_ =	sdelay $0x1  }
0x100: {  	v8 =	vadd.f32 v8, v9;
	_ =	sdelay $0x1  }
0x101: {  	v9 =	vperm.xlane v8, v3;
	_ =	sdelay $0x1  }
0x102: {  	v8 =	vadd.f32 v8, v9;
	_ =	sdelay $0x1  }
0x103: {  	v9 =	vperm.xlane v8, v4;
	_ =	sdelay $0x1  }
0x104: {  	v8 =	vadd.f32 v8, v9;
	_ =	sdelay $0x1  }
0x105: {  	v9 =	vperm.xlane v8, v6  }
0x106: {  	s0 =	sand.u32 $0xF, s24  }
0x107: {  	v8 =	vadd.f32 v8, v9;
	v9 =	vmov s0  }
0x108: {  	p1 =	sne.s32 s0, $0xF;
	vm0 =	veq.s32 v9, v0  }
0x109: {  	s0 =	sand.u32 @!p1 $0x1F0, s24;
	s24 =	smov.u32 s31;
	v7 =	vsel vm0, v8, v7  }
0x10a: {  	[tilespmem:s0+$0x1C500] =	vst @!p1 v7  }
0x10b: {  	v8 =	vld [tilespmem:s28+$0x0]  }
0x10c: {  	v9 =	vld [tilespmem:s26+$0x0];
	_ =	sdelay $0x3  }
0x10d: {  	(v2sf) =	vpush v8, $0x0  }
0x10e: {  	(v2sf) =	vpush v9, $0x0;
	_ =	sdelay $0x7  }
0x10f: {  	s0 =	sand.u32 $0xFFFE, s24  }
.Ltmp0:
0x110: {  	s0 =	sshrl.u32 s0, $0x1;
	(pc) =	sbr.rel @p0 .LBB2_2-.Ltmp0, $3  }
0x111: {  	s0 =	smul.u32 $0x4925, s0;
	_ =	sdelay $0x1  }
0x112: {  	s0 =	sshrl.u32 s0, $0x11  }
0x113: {  	s28 =	sadd.s32 $0x1, s28;
	s26 =	sadd.s32 $0x1, s26;
	s0 =	smul.u32 $0xE, s0  }
0x114: {  	s3 =	sor.u32 $0x500, s29;
	s8 =	spop (v2sf)  }
0x115: {  	s0 =	ssub.s32 s24, s0;
	s8 =	sand.u32 $0xFFFFF80, s8;
	s13 =	spop (v2sf)  }
0x116: {  	s0 =	sand.u32 $0xFFFF, s0;
	s8 =	sadd.s32 s1, s8;
	s13 =	sand.u32 $0xFFFFF80, s13  }
0x117: {  	[tilespmem:s3], [sflag:s23] =	stream.strided.gather [hbm4b:s8+s9], $0x1000, s10, s9, $0x38;
	[tilespmem:$0x1C700] =	vst v63  }
0x118: {  	s8 =	sadd.s32 $0xE500, s29;
	s29 =	sadd.s32 $0x1, s0;
	s13 =	sadd.s32 s2, s13  }
0x119: {  	[tilespmem:s8], [sflag:s23] =	stream.strided.gather [hbm4b:s13+s9], $0x1000, s10, s9, $0x38;
	[tilespmem:$0x1C700] =	vst v63  }
0x11a: {  	_ =	swait.ge [sflag:s29], $0x1000  }
0x11b: {  	[sflag:s29] =	ssyncset.done $0x0  }
0x11c: {  	[sflag:s29] =	ssyncadd.s32 $0xFFFFF000  }
0x11d: {  	_ =	swait.ge [sflag:s29], $0x1000  }
0x11e: {  	[sflag:s29] =	ssyncset.done $0x0  }
0x11f: {  	[sflag:s29] =	ssyncadd.s32 $0xFFFFF000  }
0x120: {  	v8 =	vld [tilespmem:s26+$0xFFFFFFF2]  }
0x121: {  	v9 =	vld [tilespmem:s28+$0xFFFFFFF2];
	_ =	sdelay $0x3  }
0x122: {  	(v2sf) =	vpush v8, $0x0  }
0x123: {  	(v2sf) =	vpush v9, $0x0;
	_ =	sdelay $0xd  }
0x124: {  	s0 =	sshll.u32 s0, $0xC;
	s23 =	spop (v2sf)  }
0x125: {  	v8 =	vor.u32 s0, v1;
	s3 =	sand.u32 $0x7F, s23;
	s31 =	spop (v2sf)  }
0x126: {  	v9 =	vor.u32 s0, v5;
	s8 =	sand.u32 $0x7F, s31;
	v10 =	vor.u32 s3, v8  }
0x127: {  	v11 =	vor.u32 s8, v9  }
0x128: {  	v9 =	vor.u32 s3, v9  }
0x129: {  	v8 =	vor.u32 s8, v8;
	_ =	sdelay $0x1  }
0x12a: {  	v10 =	vld.idx.msk [tilespmem:v10+s12+$0x0], $0xffff  }
0x12b: {  	v11 =	vld.idx.msk [tilespmem:v11+s11+$0x0], $0xffff  }
0x12c: {  	v9 =	vld.idx.msk [tilespmem:v9+s12+$0x0], $0xffff  }
0x12d: {  	v8 =	vld.idx.msk [tilespmem:v8+s11+$0x0], $0xffff;
	_ =	sdelay $0x4  }
0x12e: {  	v9 =	vmul.f32 v9, v11;
	v8 =	vmul.f32 v10, v8;
	_ =	sdelay $0x1  }
0x12f: {  	v8 =	vadd.f32 v9, v8;
	_ =	sdelay $0x1  }
0x130: {  	v9 =	vperm.xlane v8, v2;
	_ =	sdelay $0x1  }
0x131: {  	v8 =	vadd.f32 v8, v9;
	_ =	sdelay $0x1  }
0x132: {  	v9 =	vperm.xlane v8, v3;
	_ =	sdelay $0x1  }
0x133: {  	v8 =	vadd.f32 v8, v9;
	_ =	sdelay $0x1  }
0x134: {  	v9 =	vperm.xlane v8, v4;
	_ =	sdelay $0x1  }
0x135: {  	v8 =	vadd.f32 v8, v9;
	_ =	sdelay $0x1  }
0x136: {  	v9 =	vperm.xlane v8, v6  }
0x137: {  	s8 =	sand.u32 $0xF, s24  }
0x138: {  	v8 =	vadd.f32 v8, v9;
	v9 =	vmov s8  }
0x139: {  	p0 =	sne.s32 s8, $0xF;
	vm0 =	veq.s32 v9, v0  }
0x13a: {  	s3 =	sand.u32 @!p0 $0x1F0, s24;
	v7 =	vsel vm0, v8, v7  }
0x13b: {  	[tilespmem:s3+$0x1C500] =	vst @!p0 v7  }
0x13c: {  	v8 =	vld [tilespmem:s28+$0x0]  }
0x13d: {  	v9 =	vld [tilespmem:s26+$0x0];
	_ =	sdelay $0x3  }
0x13e: {  	(v2sf) =	vpush v8, $0x0  }
0x13f: {  	(v2sf) =	vpush v9, $0x0;
	_ =	sdelay $0x8  }
0x140: {  	s23 =	simm.s32 $0x1F2  }
0x141: {  	s24 =	sand.u32 $0xFFFE, s23  }
0x142: {  	s8 =	sshrl.u32 s24, $0x1  }
0x143: {  	s8 =	smul.u32 $0x4925, s8;
	_ =	sdelay $0x1  }
0x144: {  	s8 =	sshrl.u32 s8, $0x11;
	s13 =	spop (v2sf)  }
0x145: {  	s26 =	sor.u32 $0x500, s0;
	s3 =	sand.u32 $0xFFFFF80, s13;
	s31 =	spop (v2sf)  }
0x146: {  	s8 =	smul.u32 $0xE, s8;
	s3 =	sadd.s32 s1, s3;
	s13 =	sand.u32 $0xFFFFF80, s31  }
0x147: {  	[tilespmem:s26], [sflag:s29] =	stream.strided.gather [hbm4b:s3+s9], $0x1000, s10, s9, $0x38;
	[tilespmem:$0x1C700] =	vst v63  }
0x148: {  	s0 =	sadd.s32 $0xE500, s0;
	s24 =	ssub.s32 $0x1F2, s8;
	s3 =	sadd.s32 s2, s13  }
0x149: {  	[tilespmem:s0], [sflag:s29] =	stream.strided.gather [hbm4b:s3+s9], $0x1000, s10, s9, $0x38;
	[tilespmem:$0x1C700] =	vst v63  }
0x14a: {  	s0 =	sand.u32 $0xFFFF, s24  }
0x14b: {  	s26 =	sadd.s32 $0x1, s0  }
0x14c: {  	_ =	swait.ge [sflag:s26], $0x1000  }
0x14d: {  	[sflag:s26] =	ssyncset.done $0x0  }
0x14e: {  	[sflag:s26] =	ssyncadd.s32 $0xFFFFF000  }
0x14f: {  	_ =	swait.ge [sflag:s26], $0x1000  }
0x150: {  	[sflag:s26] =	ssyncset.done $0x0  }
0x151: {  	[sflag:s26] =	ssyncadd.s32 $0xFFFFF000  }
0x152: {  	v8 =	vld [tilespmem:s23+$0x0]  }
0x153: {  	s26 =	simm.s32 $0x472  }
0x154: {  	v9 =	vld [tilespmem:s26+$0x0];
	_ =	sdelay $0x2  }
0x155: {  	(v2sf) =	vpush v8, $0x0;
	_ =	sdelay $0x1  }
0x156: {  	(v2sf) =	vpush v9, $0x0;
	_ =	sdelay $0xc  }
0x157: {  	s0 =	sshll.u32 s0, $0xC;
	s31 =	spop (v2sf)  }
0x158: {  	v8 =	vor.u32 s0, v1;
	s3 =	sand.u32 $0x7F, s31  }
0x159: {  	v9 =	vor.u32 s0, v5;
	s8 =	spop (v2sf);
	v10 =	vor.u32 s3, v8  }
0x15a: {  	s0 =	sand.u32 $0x7F, s8;
	v11 =	vor.u32 s3, v9  }
0x15b: {  	v8 =	vor.u32 s0, v8  }
0x15c: {  	v9 =	vor.u32 s0, v9;
	_ =	sdelay $0x1  }
0x15d: {  	v10 =	vld.idx.msk [tilespmem:v10+s11+$0x0], $0xffff  }
0x15e: {  	v11 =	vld.idx.msk [tilespmem:v11+s11+$0x0], $0xffff  }
0x15f: {  	v8 =	vld.idx.msk [tilespmem:v8+s12+$0x0], $0xffff  }
0x160: {  	v9 =	vld.idx.msk [tilespmem:v9+s12+$0x0], $0xffff;
	_ =	sdelay $0x4  }
0x161: {  	v8 =	vmul.f32 v8, v10;
	v9 =	vmul.f32 v9, v11;
	_ =	sdelay $0x1  }
0x162: {  	v8 =	vadd.f32 v9, v8;
	_ =	sdelay $0x1  }
0x163: {  	v9 =	vperm.xlane v8, v2;
	_ =	sdelay $0x1  }
0x164: {  	v8 =	vadd.f32 v8, v9;
	_ =	sdelay $0x1  }
0x165: {  	v9 =	vperm.xlane v8, v3;
	_ =	sdelay $0x1  }
0x166: {  	s24 =	simm.s32 $0x1F3;
	v8 =	vadd.f32 v8, v9  }
0x167: {  	s13 =	sand.u32 $0xFFFE, s24  }
0x168: {  	p6 =	por $0x1, $0x1;
	s0 =	sshrl.u32 s13, $0x1;
	v9 =	vperm.xlane v8, v4  }
0x169: {  	p0 =	por p6, p6;
	s0 =	smul.u32 $0x4925, s0  }
0x16a: {  	p2 =	por $0x1, $0x1;
	p1 =	por p0, p0;
	v8 =	vadd.f32 v8, v9  }
0x16b: {  	p0 =	por p2, p2;
	s31 =	simm.s32 $0x2;
	s0 =	sshrl.u32 s0, $0x11  }
0x16c: {  	s28 =	simm.s32 $0x1F3;
	s29 =	simm.s32 $0x1F4;
	s30 =	smul.u32 $0xE, s0;
	v10 =	vmov s31;
	v9 =	vperm.xlane v8, v6  }
.LBB2_4:
0x16d: {  	p3 =	sne.s32 s29, $0x1FF  }
0x16e: {  	v8 =	vadd.f32 v8, v9;
	vm0 =	veq.s32 v10, v0;
	s26 =	sadd.s32 $0x1, s26;
	s0 =	smov.u32 s29;
	s29 =	sadd.s32 $0x1, s29  }
0x16f: {  	s8 =	sand.u32 @!p1 $0x1F0, s23;
	p2 =	sne.s32 s29, $0x200;
	s3 =	ssub.s32 s24, s30  }
0x170: {  	s23 =	smov.u32 s24;
	s24 =	smov.u32 s0;
	s3 =	sand.u32 $0xFFFF, s3;
	v7 =	vsel vm0, v8, v7  }
0x171: {  	s0 =	sadd.s32 $0x1, s3;
	s3 =	sshll.u32 s3, $0xC;
	[tilespmem:s8+$0x1C500] =	vst @!p1 v7;
	p1 =	por p0, p0  }
0x172: {  	p0 =	por p3, p3;
	_ =	swait.ge [sflag:s0], $0x1000  }
0x173: {  	[sflag:s0] =	ssyncset.done $0x0  }
0x174: {  	[sflag:s0] =	ssyncadd.s32 $0xFFFFF000  }
0x175: {  	_ =	swait.ge [sflag:s0], $0x1000  }
0x176: {  	[sflag:s0] =	ssyncset.done $0x0  }
0x177: {  	[sflag:s0] =	ssyncadd.s32 $0xFFFFF000  }
0x178: {  	v8 =	vld [tilespmem:s28+$0x0]  }
0x179: {  	v9 =	vld [tilespmem:s26+$0x0];
	_ =	sdelay $0x3  }
0x17a: {  	(v2sf) =	vpush v8, $0x0  }
0x17b: {  	(v2sf) =	vpush v9, $0x0;
	_ =	sdelay $0xd  }
0x17c: {  	s0 =	spop (v2sf)  }
0x17d: {  	v8 =	vor.u32 s3, v1;
	v9 =	vor.u32 s3, v5;
	s0 =	sand.u32 $0x7F, s0;
	s3 =	spop (v2sf)  }
0x17e: {  	s3 =	sand.u32 $0x7F, s3;
	v10 =	vor.u32 s0, v8;
	v11 =	vor.u32 s0, v9  }
0x17f: {  	v8 =	vor.u32 s3, v8;
	v9 =	vor.u32 s3, v9;
	_ =	sdelay $0x3  }
0x180: {  	v10 =	vld.idx.msk [tilespmem:v10+s11+$0x0], $0xffff  }
0x181: {  	v11 =	vld.idx.msk [tilespmem:v11+s11+$0x0], $0xffff  }
0x182: {  	v8 =	vld.idx.msk [tilespmem:v8+s12+$0x0], $0xffff  }
0x183: {  	v9 =	vld.idx.msk [tilespmem:v9+s12+$0x0], $0xffff;
	_ =	sdelay $0x4  }
0x184: {  	v8 =	vmul.f32 v8, v10  }
0x185: {  	v9 =	vmul.f32 v9, v11;
	_ =	sdelay $0x1  }
0x186: {  	v8 =	vadd.f32 v9, v8;
	_ =	sdelay $0x1  }
0x187: {  	v9 =	vperm.xlane v8, v2;
	_ =	sdelay $0x1  }
0x188: {  	v8 =	vadd.f32 v8, v9;
	_ =	sdelay $0x1  }
0x189: {  	v9 =	vperm.xlane v8, v3;
	_ =	sdelay $0x1  }
0x18a: {  	v8 =	vadd.f32 v8, v9;
	_ =	sdelay $0x1  }
0x18b: {  	s0 =	sand.u32 $0xFFFE, s24;
	v9 =	vperm.xlane v8, v4  }
.Ltmp1:
0x18c: {  	s0 =	sshrl.u32 s0, $0x1;
	(pc) =	sbr.rel @p2 .LBB2_4-.Ltmp1, $3  }
0x18d: {  	s0 =	smul.u32 $0x4925, s0;
	v8 =	vadd.f32 v8, v9;
	_ =	sdelay $0x1  }
0x18e: {  	s3 =	sadd.s32 $0xFFFFFE10, s23;
	s0 =	sshrl.u32 s0, $0x11;
	v9 =	vperm.xlane v8, v6  }
0x18f: {  	s28 =	sadd.s32 $0x1, s28;
	s30 =	smul.u32 $0xE, s0;
	v10 =	vmov s3  }
0x190: {  	v8 =	vadd.f32 v8, v9  }
0x191: {  	vm0 =	veq.s32 v10, v0;
	s0 =	ssub.s32 s24, s30  }
0x192: {  	s3 =	sand.u32 @!p1 $0x1F0, s23;
	s0 =	sand.u32 $0xFFFF, s0;
	v7 =	vsel vm0, v8, v7  }
0x193: {  	s8 =	sadd.s32 $0x1, s0;
	[tilespmem:s3+$0x1C500] =	vst @!p1 v7  }
0x194: {  	_ =	swait.ge [sflag:s8], $0x1000  }
0x195: {  	[sflag:s8] =	ssyncset.done $0x0  }
0x196: {  	[sflag:s8] =	ssyncadd.s32 $0xFFFFF000  }
0x197: {  	_ =	swait.ge [sflag:s8], $0x1000  }
0x198: {  	[sflag:s8] =	ssyncset.done $0x0  }
0x199: {  	[sflag:s8] =	ssyncadd.s32 $0xFFFFF000  }
0x19a: {  	v8 =	vld [tilespmem:s28+$0x0]  }
0x19b: {  	s28 =	sadd.s32 $0x1, s26  }
0x19c: {  	v60 =	vld [tilespmem:s28+$0x0];
	_ =	sdelay $0x2  }
0x19d: {  	(v2sf) =	vpush v8, $0x0;
	_ =	sdelay $0x1  }
0x19e: {  	(v2sf) =	vpush v60, $0x0;
	_ =	sdelay $0xc  }
0x19f: {  	s0 =	sshll.u32 s0, $0xC;
	s29 =	spop (v2sf)  }
0x1a0: {  	v8 =	vor.u32 s0, v1;
	s3 =	sand.u32 $0x7F, s29  }
0x1a1: {  	v61 =	vor.u32 s0, v5;
	s30 =	spop (v2sf);
	v62 =	vor.u32 s3, v8  }
0x1a2: {  	s0 =	sand.u32 $0x7F, s30;
	v11 =	vor.u32 s3, v61  }
0x1a3: {  	v8 =	vor.u32 s0, v8  }
0x1a4: {  	v9 =	vor.u32 s0, v61;
	_ =	sdelay $0x1  }
0x1a5: {  	v10 =	vld.idx.msk [tilespmem:v62+s11+$0x0], $0xffff  }
0x1a6: {  	v11 =	vld.idx.msk [tilespmem:v11+s11+$0x0], $0xffff  }
0x1a7: {  	v8 =	vld.idx.msk [tilespmem:v8+s12+$0x0], $0xffff  }
0x1a8: {  	v9 =	vld.idx.msk [tilespmem:v9+s12+$0x0], $0xffff;
	_ =	sdelay $0x4  }
0x1a9: {  	v8 =	vmul.f32 v8, v10;
	v9 =	vmul.f32 v9, v11;
	_ =	sdelay $0x1  }
0x1aa: {  	v8 =	vadd.f32 v9, v8;
	_ =	sdelay $0x1  }
0x1ab: {  	v9 =	vperm.xlane v8, v2;
	_ =	sdelay $0x1  }
0x1ac: {  	v8 =	vadd.f32 v8, v9;
	_ =	sdelay $0x1  }
0x1ad: {  	v9 =	vperm.xlane v8, v3;
	_ =	sdelay $0x1  }
0x1ae: {  	v8 =	vadd.f32 v8, v9;
	_ =	sdelay $0x1  }
0x1af: {  	v9 =	vperm.xlane v8, v4;
	_ =	sdelay $0x1  }
0x1b0: {  	v8 =	vadd.f32 v8, v9;
	_ =	sdelay $0x1  }
0x1b1: {  	v9 =	vperm.xlane v8, v6  }
0x1b2: {  	s31 =	sadd.s32 $0xFFFFFE10, s24  }
0x1b3: {  	v63 =	vmov s31;
	v8 =	vadd.f32 v8, v9  }
0x1b4: {  	p0 =	por p0, p0;
	vm15 =	veq.s32 v63, v0  }
0x1b5: {  	s21 =	sadd.s32 $0x1, s21;
	s0 =	sand.u32 @!p0 $0x1F0, s24;
	v7 =	vsel vm15, v8, v7  }
0x1b6: {  	[tilespmem:s0+$0x1C500] =	vst @!p0 v7;
	p0 =	sne.s32 s21, s25  }
.Ltmp2:
0x1b7: {  	_ = 	snop;
	(pc) =	sbr.rel @p0 .LBB2_1-.Ltmp2, $4  }
0x1b8: {  	[hbm4b:s22+s4] =	stream.linear.scatter [tilespmem:s20], [sflag:$0xF], $0x200, $0x38;
	[tilespmem:$0x1C700] =	vst v63  }
0x1b9: {  	_ =	swait.ge [sflag:s7], $0x200  }
0x1ba: {  	[sflag:s7] =	ssyncset.done $0x0  }
0x1bb: {  	[sflag:s7] =	ssyncadd.s32 $0xFFFFFE00  }
0x1bc: {  	_ =	sfence.sel $0x180000  }
0x1bd: {  	[bflag:$0x0] =	sbarrier.arrive $0xFFFF  }
0x1be: {  	_ =	strace $0x90000047  }
0x1bf: {  	s0 =	stileid.u32;
	[bflag:$0x2] =	sbarrier.arrive $0xFFFF  }
0x1c0: {  	p0 =	sne.s32 s0, $0x0;
	s0 =	rddreg [dreg:$0x5]  }
0x1c1: {  	s0 =	sadd.s32 @!p0 $0x100000, s0  }
0x1c2: {  	[sflag:s0] =	ssyncadd.tile.s32 @!p0 $0x1;
	_ =	shalt  }
.Lfunc_end2:
_tile_overlayer_lowered:
.L_overlay_start_2:
0x1c3: {  	(tag) =	ssettag $0x2  }
0x1c4: {  	s0 =	rddreg [dreg:$0x0];
	s2 =	stileid.u32  }
0x1c5: {  	s1 =	rddreg [dreg:$0x1];
	p0 =	sne.s32 s2, $0x0  }
0x1c6: {  	s3 =	rddreg [dreg:$0x2];
	[bflag:$0x3] =	sbarrier.arrive $0xFFFF;
	s2 =	simm.s32 @!p0 $0x1C0F  }
0x1c7: {  	[timem:s3], [sflag:s2] =	dma.local @!p0 [hbm:s0], s1  }
0x1c8: {  	s0 =	simm.s32 @!p0 $0xF  }
0x1c9: {  	_ =	swait.ge @!p0 [sflag:s0], s1  }
0x1ca: {  	s1 =	ssub.s32 @!p0 $0x0, s1;
	[sflag:s0] =	ssyncset.done @!p0 $0x0  }
0x1cb: {  	[sflag:s0] =	ssyncadd.s32 @!p0 s1  }
0x1cc: {  	[bflag:$0x3] =	sbarrier.arrive $0xFFFF  }
0x1cd: {  	_ =	shalt  }

</sc_bundles>
